<compile_context>
chip_gen: v7x
topology: tpu7x:2x2x1
jax: 0.10.2.dev20260603
libtpu: 0.0.44.dev20260713+nightly
codegen_flags: <defaults>
</compile_context>

<pallas_src>
import functools
import jax
import jax.numpy as jnp
from jax import lax
from jax.experimental import pallas as pl
from jax.experimental.pallas import tpu as pltpu
from jax.experimental.pallas import tpu_sc as plsc

_DIM = 128


def _sc_lookup(batch, total_len, seg_bounds, dtype):
    info = plsc.get_sparse_core_info()
    nc, ns = info.num_cores, info.num_subcores
    nw = nc * ns
    per_w = batch // nw
    pad_len = ((total_len + 15) // 16) * 16
    mesh = plsc.VectorSubcoreMesh(core_axis_name="c", subcore_axis_name="s")

    @functools.partial(
        pl.kernel,
        mesh=mesh,
        out_type=jax.ShapeDtypeStruct((batch, total_len, _DIM), dtype),
        scratch_types=[
            pltpu.VMEM((pad_len,), jnp.int32),
            pltpu.VMEM((total_len, _DIM), dtype),
            pltpu.SemaphoreType.DMA,
        ],
    )
    def k(emb_hbm, out_hbm, idx_v, pat_v, sem):
        wid = lax.axis_index("s") * nc + lax.axis_index("c")
        base = wid * per_w
        for c in range(pad_len // 16):
            row = lax.iota(jnp.int32, 16) + (c * 16)
            t = jnp.full((16,), seg_bounds[-1][1], dtype=jnp.int32)
            for hi, ty in reversed(seg_bounds[:-1]):
                t = jnp.where(row < hi, jnp.full((16,), ty, jnp.int32), t)
            idx_v[pl.ds(c * 16, 16)] = t
        g1 = pltpu.async_copy(
            emb_hbm.at[idx_v.at[pl.ds(0, 128)]], pat_v.at[pl.ds(0, 128)], sem)
        g2 = pltpu.async_copy(
            emb_hbm.at[idx_v.at[pl.ds(128, total_len - 128)]],
            pat_v.at[pl.ds(128, total_len - 128)], sem)
        g1.wait()
        g2.wait()
        copies = [
            pltpu.async_copy(pat_v, out_hbm.at[base + j], sem)
            for j in range(per_w)
        ]
        for cp in copies:
            cp.wait()

    return k


def kernel(ego, obs, lane, bound, embedding):
    batch = ego.shape[0]
    obs_len = obs.shape[1]
    lanes_len = lane.shape[1]
    bounds_len = bound.shape[1]
    total_len = 1 + obs_len + 1 + lanes_len + bounds_len
    route_start = 1 + obs_len
    lanes_start = route_start + 1
    bounds_start = lanes_start + lanes_len
    seg_bounds = [
        (1, 0),
        (route_start, 2),
        (lanes_start, 3),
        (bounds_start, 4),
        (None, 5),
    ]
    return _sc_lookup(batch, total_len, seg_bounds, embedding.dtype)(embedding)

# --- scband reference (transcript-rebuilt; emitter-appended) ---
"""Pipeline reference for scband-vectorized-embedding-747324309662 (READ-ONLY COPY).

The authoritative reference and input builder live on the scoring server;
editing this copy changes nothing except your own understanding.
"""

import jax, jax.numpy as jnp
import numpy as np

POLYLINE_TYPES = {'AGENT_OF_INTEREST': 0, 'AGENT_NO': 1, 'AGENT_CAR': 2, 'ROUTE': 3, 'LANE_CENTER': 4, 'BOUND': 5}
DIM_EMBEDDING = 128

def setup_inputs(seed: int = 0) -> dict:
    key = jax.random.key(seed)
    k1, k2, k3, k4, k5 = jax.random.split(key, 5)
    ego = jax.random.normal(k1, (1024, 10), dtype=jnp.float32)
    obs = jax.random.normal(k2, (1024, 64, 10), dtype=jnp.float32)
    lane = jax.random.normal(k3, (1024, 100, 20), dtype=jnp.float32)
    bound = jax.random.normal(k4, (1024, 40, 20), dtype=jnp.float32)
    embedding = jax.random.normal(k5, (len(POLYLINE_TYPES), DIM_EMBEDDING), dtype=jnp.float32)
    return {'ego': ego, 'obs': obs, 'lane': lane, 'bound': bound, 'embedding': embedding}

def reference(ego, obs, lane, bound, embedding):
    batch_size = ego.shape[0]
    other_agents_len = obs.shape[1]
    route_len = 1
    lanes_len = lane.shape[1]
    bounds_len = bound.shape[1]
    total_len = 1 + other_agents_len + route_len + lanes_len + bounds_len
    other_agents_start_idx = 1
    route_start_index = other_agents_start_idx + other_agents_len
    lanes_start_idx = route_start_index + route_len
    bounds_start_idx = lanes_start_idx + lanes_len
    indices = jnp.full((batch_size, total_len), POLYLINE_TYPES['AGENT_NO'], dtype=jnp.int32)
    indices = indices.at[:, 0].set(POLYLINE_TYPES['AGENT_OF_INTEREST'])
    indices = indices.at[:, other_agents_start_idx:route_start_index].set(POLYLINE_TYPES['AGENT_CAR'])
    indices = indices.at[:, route_start_index:lanes_start_idx].set(POLYLINE_TYPES['ROUTE'])
    indices = indices.at[:, lanes_start_idx:bounds_start_idx].set(POLYLINE_TYPES['LANE_CENTER'])
    indices = indices.at[:, bounds_start_idx:].set(POLYLINE_TYPES['BOUND'])
    return jnp.take(embedding, indices, axis=0)

if __name__ == "__main__":
    import jax
    _d = setup_inputs()
    print(jax.jit(kernel)(*tuple(_d.values())))

</pallas_src>

<mosaic_0001>
#map = affine_map<(d0, d1) -> (0, 0)>
#map1 = affine_map<(d0, d1) -> (0, 0, 0)>
module attributes {stable_mosaic.version = 14 : i64} {
  func.func @k(%arg0: i32, %arg1: i32, %arg2: memref<6x128xf32, #tpu.memory_space<hbm>>, %arg3: memref<1024x206x128xf32, #tpu.memory_space<hbm>>, %arg4: memref<208xi32, #tpu.memory_space<vmem>>, %arg5: memref<206x128xf32, #tpu.memory_space<vmem>>, %arg6: memref<!tpu.dma_semaphore, #tpu.memory_space<semaphore_mem>>) attributes {dimension_semantics = [#tpu.dimension_semantics<core_parallel>, #tpu.dimension_semantics<subcore_parallel>], iteration_bounds = array<i64: 2, 16>, scalar_prefetch = 0 : i64, scratch_operands = 3 : i64, tpu.core_type = #tpu.core_type<sc_vector_subcore>, window_params = [{transform_indices = #map}, {transform_indices = #map1}]} {
    %mul3A = arith.constant 2 : i32
    %mul3A_0 = arith.muli %arg1, %mul3A : i32
    %add3A = arith.addi %mul3A_0, %arg0 : i32
    %mul3A_1 = arith.constant 32 : i32
    %mul3A_2 = arith.muli %add3A, %mul3A_1 : i32
    %iota3A = tpu.iota {dimensions = array<i32: 0>} : vector<16xi32>
    %add3A_3 = arith.constant 0 : i32
    %add3A_4 = vector.broadcast %add3A_3 : i32 to vector<16xi32>
    %add3A_5 = arith.addi %iota3A, %add3A_4 : vector<16xi32>
    %broadcast_in_dim3A = arith.constant 5 : i32
    %broadcast_in_dim3A_6 = vector.broadcast %broadcast_in_dim3A : i32 to vector<16xi32>
    %lt3A = arith.constant 166 : i32
    %lt3A_7 = vector.broadcast %lt3A : i32 to vector<16xi32>
    %lt3A_8 = arith.cmpi slt, %add3A_5, %lt3A_7 : vector<16xi32>
    %broadcast_in_dim3A_9 = arith.constant 4 : i32
    %broadcast_in_dim3A_10 = vector.broadcast %broadcast_in_dim3A_9 : i32 to vector<16xi32>
    %select_n3A = arith.select %lt3A_8, %broadcast_in_dim3A_10, %broadcast_in_dim3A_6 : vector<16xi1>, vector<16xi32>
    %lt3A_11 = arith.constant 66 : i32
    %lt3A_12 = vector.broadcast %lt3A_11 : i32 to vector<16xi32>
    %lt3A_13 = arith.cmpi slt, %add3A_5, %lt3A_12 : vector<16xi32>
    %broadcast_in_dim3A_14 = arith.constant 3 : i32
    %broadcast_in_dim3A_15 = vector.broadcast %broadcast_in_dim3A_14 : i32 to vector<16xi32>
    %select_n3A_16 = arith.select %lt3A_13, %broadcast_in_dim3A_15, %select_n3A : vector<16xi1>, vector<16xi32>
    %lt3A_17 = arith.constant 65 : i32
    %lt3A_18 = vector.broadcast %lt3A_17 : i32 to vector<16xi32>
    %lt3A_19 = arith.cmpi slt, %add3A_5, %lt3A_18 : vector<16xi32>
    %broadcast_in_dim3A_20 = arith.constant 2 : i32
    %broadcast_in_dim3A_21 = vector.broadcast %broadcast_in_dim3A_20 : i32 to vector<16xi32>
    %select_n3A_22 = arith.select %lt3A_19, %broadcast_in_dim3A_21, %select_n3A_16 : vector<16xi1>, vector<16xi32>
    %lt3A_23 = arith.constant 1 : i32
    %lt3A_24 = vector.broadcast %lt3A_23 : i32 to vector<16xi32>
    %lt3A_25 = arith.cmpi slt, %add3A_5, %lt3A_24 : vector<16xi32>
    %broadcast_in_dim3A_26 = arith.constant 0 : i32
    %broadcast_in_dim3A_27 = vector.broadcast %broadcast_in_dim3A_26 : i32 to vector<16xi32>
    %select_n3A_28 = arith.select %lt3A_25, %broadcast_in_dim3A_27, %select_n3A_22 : vector<16xi1>, vector<16xi32>
    %swap3A = arith.constant 0 : index
    %swap3A_29 = tpu.vector_load %arg4[%swap3A] {strides = array<i32>} : memref<208xi32, #tpu.memory_space<vmem>>, vector<16xi32>,
    %swap3A_30 = vector.shape_cast %swap3A_29 : vector<16xi32> to vector<16xi32>
    %swap3A_31 = vector.shape_cast %select_n3A_28 : vector<16xi32> to vector<16xi32>
    tpu.vector_store %arg4[%swap3A], %swap3A_31 {strides = array<i32>} : memref<208xi32, #tpu.memory_space<vmem>>, vector<16xi32>,
    %iota3A_32 = tpu.iota {dimensions = array<i32: 0>} : vector<16xi32>
    %add3A_33 = arith.constant 16 : i32
    %add3A_34 = vector.broadcast %add3A_33 : i32 to vector<16xi32>
    %add3A_35 = arith.addi %iota3A_32, %add3A_34 : vector<16xi32>
    %broadcast_in_dim3A_36 = arith.constant 5 : i32
    %broadcast_in_dim3A_37 = vector.broadcast %broadcast_in_dim3A_36 : i32 to vector<16xi32>
    %lt3A_38 = arith.constant 166 : i32
    %lt3A_39 = vector.broadcast %lt3A_38 : i32 to vector<16xi32>
    %lt3A_40 = arith.cmpi slt, %add3A_35, %lt3A_39 : vector<16xi32>
    %broadcast_in_dim3A_41 = arith.constant 4 : i32
    %broadcast_in_dim3A_42 = vector.broadcast %broadcast_in_dim3A_41 : i32 to vector<16xi32>
    %select_n3A_43 = arith.select %lt3A_40, %broadcast_in_dim3A_42, %broadcast_in_dim3A_37 : vector<16xi1>, vector<16xi32>
    %lt3A_44 = arith.constant 66 : i32
    %lt3A_45 = vector.broadcast %lt3A_44 : i32 to vector<16xi32>
    %lt3A_46 = arith.cmpi slt, %add3A_35, %lt3A_45 : vector<16xi32>
    %broadcast_in_dim3A_47 = arith.constant 3 : i32
    %broadcast_in_dim3A_48 = vector.broadcast %broadcast_in_dim3A_47 : i32 to vector<16xi32>
    %select_n3A_49 = arith.select %lt3A_46, %broadcast_in_dim3A_48, %select_n3A_43 : vector<16xi1>, vector<16xi32>
    %lt3A_50 = arith.constant 65 : i32
    %lt3A_51 = vector.broadcast %lt3A_50 : i32 to vector<16xi32>
    %lt3A_52 = arith.cmpi slt, %add3A_35, %lt3A_51 : vector<16xi32>
    %broadcast_in_dim3A_53 = arith.constant 2 : i32
    %broadcast_in_dim3A_54 = vector.broadcast %broadcast_in_dim3A_53 : i32 to vector<16xi32>
    %select_n3A_55 = arith.select %lt3A_52, %broadcast_in_dim3A_54, %select_n3A_49 : vector<16xi1>, vector<16xi32>
    %lt3A_56 = arith.constant 1 : i32
    %lt3A_57 = vector.broadcast %lt3A_56 : i32 to vector<16xi32>
    %lt3A_58 = arith.cmpi slt, %add3A_35, %lt3A_57 : vector<16xi32>
    %broadcast_in_dim3A_59 = arith.constant 0 : i32
    %broadcast_in_dim3A_60 = vector.broadcast %broadcast_in_dim3A_59 : i32 to vector<16xi32>
    %select_n3A_61 = arith.select %lt3A_58, %broadcast_in_dim3A_60, %select_n3A_55 : vector<16xi1>, vector<16xi32>
    %swap3A_62 = arith.constant 16 : index
    %swap3A_63 = tpu.vector_load %arg4[%swap3A_62] {strides = array<i32>} : memref<208xi32, #tpu.memory_space<vmem>>, vector<16xi32>,
    %swap3A_64 = vector.shape_cast %swap3A_63 : vector<16xi32> to vector<16xi32>
    %swap3A_65 = vector.shape_cast %select_n3A_61 : vector<16xi32> to vector<16xi32>
    tpu.vector_store %arg4[%swap3A_62], %swap3A_65 {strides = array<i32>} : memref<208xi32, #tpu.memory_space<vmem>>, vector<16xi32>,
    %iota3A_66 = tpu.iota {dimensions = array<i32: 0>} : vector<16xi32>
    %add3A_67 = arith.constant 32 : i32
    %add3A_68 = vector.broadcast %add3A_67 : i32 to vector<16xi32>
    %add3A_69 = arith.addi %iota3A_66, %add3A_68 : vector<16xi32>
    %broadcast_in_dim3A_70 = arith.constant 5 : i32
    %broadcast_in_dim3A_71 = vector.broadcast %broadcast_in_dim3A_70 : i32 to vector<16xi32>
    %lt3A_72 = arith.constant 166 : i32
    %lt3A_73 = vector.broadcast %lt3A_72 : i32 to vector<16xi32>
    %lt3A_74 = arith.cmpi slt, %add3A_69, %lt3A_73 : vector<16xi32>
    %broadcast_in_dim3A_75 = arith.constant 4 : i32
    %broadcast_in_dim3A_76 = vector.broadcast %broadcast_in_dim3A_75 : i32 to vector<16xi32>
    %select_n3A_77 = arith.select %lt3A_74, %broadcast_in_dim3A_76, %broadcast_in_dim3A_71 : vector<16xi1>, vector<16xi32>
    %lt3A_78 = arith.constant 66 : i32
    %lt3A_79 = vector.broadcast %lt3A_78 : i32 to vector<16xi32>
    %lt3A_80 = arith.cmpi slt, %add3A_69, %lt3A_79 : vector<16xi32>
    %broadcast_in_dim3A_81 = arith.constant 3 : i32
    %broadcast_in_dim3A_82 = vector.broadcast %broadcast_in_dim3A_81 : i32 to vector<16xi32>
    %select_n3A_83 = arith.select %lt3A_80, %broadcast_in_dim3A_82, %select_n3A_77 : vector<16xi1>, vector<16xi32>
    %lt3A_84 = arith.constant 65 : i32
    %lt3A_85 = vector.broadcast %lt3A_84 : i32 to vector<16xi32>
    %lt3A_86 = arith.cmpi slt, %add3A_69, %lt3A_85 : vector<16xi32>
    %broadcast_in_dim3A_87 = arith.constant 2 : i32
    %broadcast_in_dim3A_88 = vector.broadcast %broadcast_in_dim3A_87 : i32 to vector<16xi32>
    %select_n3A_89 = arith.select %lt3A_86, %broadcast_in_dim3A_88, %select_n3A_83 : vector<16xi1>, vector<16xi32>
    %lt3A_90 = arith.constant 1 : i32
    %lt3A_91 = vector.broadcast %lt3A_90 : i32 to vector<16xi32>
    %lt3A_92 = arith.cmpi slt, %add3A_69, %lt3A_91 : vector<16xi32>
    %broadcast_in_dim3A_93 = arith.constant 0 : i32
    %broadcast_in_dim3A_94 = vector.broadcast %broadcast_in_dim3A_93 : i32 to vector<16xi32>
    %select_n3A_95 = arith.select %lt3A_92, %broadcast_in_dim3A_94, %select_n3A_89 : vector<16xi1>, vector<16xi32>
    %swap3A_96 = arith.constant 32 : index
    %swap3A_97 = tpu.vector_load %arg4[%swap3A_96] {strides = array<i32>} : memref<208xi32, #tpu.memory_space<vmem>>, vector<16xi32>,
    %swap3A_98 = vector.shape_cast %swap3A_97 : vector<16xi32> to vector<16xi32>
    %swap3A_99 = vector.shape_cast %select_n3A_95 : vector<16xi32> to vector<16xi32>
    tpu.vector_store %arg4[%swap3A_96], %swap3A_99 {strides = array<i32>} : memref<208xi32, #tpu.memory_space<vmem>>, vector<16xi32>,
    %iota3A_100 = tpu.iota {dimensions = array<i32: 0>} : vector<16xi32>
    %add3A_101 = arith.constant 48 : i32
    %add3A_102 = vector.broadcast %add3A_101 : i32 to vector<16xi32>
    %add3A_103 = arith.addi %iota3A_100, %add3A_102 : vector<16xi32>
    %broadcast_in_dim3A_104 = arith.constant 5 : i32
    %broadcast_in_dim3A_105 = vector.broadcast %broadcast_in_dim3A_104 : i32 to vector<16xi32>
    %lt3A_106 = arith.constant 166 : i32
    %lt3A_107 = vector.broadcast %lt3A_106 : i32 to vector<16xi32>
    %lt3A_108 = arith.cmpi slt, %add3A_103, %lt3A_107 : vector<16xi32>
    %broadcast_in_dim3A_109 = arith.constant 4 : i32
    %broadcast_in_dim3A_110 = vector.broadcast %broadcast_in_dim3A_109 : i32 to vector<16xi32>
    %select_n3A_111 = arith.select %lt3A_108, %broadcast_in_dim3A_110, %broadcast_in_dim3A_105 : vector<16xi1>, vector<16xi32>
    %lt3A_112 = arith.constant 66 : i32
    %lt3A_113 = vector.broadcast %lt3A_112 : i32 to vector<16xi32>
    %lt3A_114 = arith.cmpi slt, %add3A_103, %lt3A_113 : vector<16xi32>
    %broadcast_in_dim3A_115 = arith.constant 3 : i32
    %broadcast_in_dim3A_116 = vector.broadcast %broadcast_in_dim3A_115 : i32 to vector<16xi32>
    %select_n3A_117 = arith.select %lt3A_114, %broadcast_in_dim3A_116, %select_n3A_111 : vector<16xi1>, vector<16xi32>
    %lt3A_118 = arith.constant 65 : i32
    %lt3A_119 = vector.broadcast %lt3A_118 : i32 to vector<16xi32>
    %lt3A_120 = arith.cmpi slt, %add3A_103, %lt3A_119 : vector<16xi32>
    %broadcast_in_dim3A_121 = arith.constant 2 : i32
    %broadcast_in_dim3A_122 = vector.broadcast %broadcast_in_dim3A_121 : i32 to vector<16xi32>
    %select_n3A_123 = arith.select %lt3A_120, %broadcast_in_dim3A_122, %select_n3A_117 : vector<16xi1>, vector<16xi32>
    %lt3A_124 = arith.constant 1 : i32
    %lt3A_125 = vector.broadcast %lt3A_124 : i32 to vector<16xi32>
    %lt3A_126 = arith.cmpi slt, %add3A_103, %lt3A_125 : vector<16xi32>
    %broadcast_in_dim3A_127 = arith.constant 0 : i32
    %broadcast_in_dim3A_128 = vector.broadcast %broadcast_in_dim3A_127 : i32 to vector<16xi32>
    %select_n3A_129 = arith.select %lt3A_126, %broadcast_in_dim3A_128, %select_n3A_123 : vector<16xi1>, vector<16xi32>
    %swap3A_130 = arith.constant 48 : index
    %swap3A_131 = tpu.vector_load %arg4[%swap3A_130] {strides = array<i32>} : memref<208xi32, #tpu.memory_space<vmem>>, vector<16xi32>,
    %swap3A_132 = vector.shape_cast %swap3A_131 : vector<16xi32> to vector<16xi32>
    %swap3A_133 = vector.shape_cast %select_n3A_129 : vector<16xi32> to vector<16xi32>
    tpu.vector_store %arg4[%swap3A_130], %swap3A_133 {strides = array<i32>} : memref<208xi32, #tpu.memory_space<vmem>>, vector<16xi32>,
    %iota3A_134 = tpu.iota {dimensions = array<i32: 0>} : vector<16xi32>
    %add3A_135 = arith.constant 64 : i32
    %add3A_136 = vector.broadcast %add3A_135 : i32 to vector<16xi32>
    %add3A_137 = arith.addi %iota3A_134, %add3A_136 : vector<16xi32>
    %broadcast_in_dim3A_138 = arith.constant 5 : i32
    %broadcast_in_dim3A_139 = vector.broadcast %broadcast_in_dim3A_138 : i32 to vector<16xi32>
    %lt3A_140 = arith.constant 166 : i32
    %lt3A_141 = vector.broadcast %lt3A_140 : i32 to vector<16xi32>
    %lt3A_142 = arith.cmpi slt, %add3A_137, %lt3A_141 : vector<16xi32>
    %broadcast_in_dim3A_143 = arith.constant 4 : i32
    %broadcast_in_dim3A_144 = vector.broadcast %broadcast_in_dim3A_143 : i32 to vector<16xi32>
    %select_n3A_145 = arith.select %lt3A_142, %broadcast_in_dim3A_144, %broadcast_in_dim3A_139 : vector<16xi1>, vector<16xi32>
    %lt3A_146 = arith.constant 66 : i32
    %lt3A_147 = vector.broadcast %lt3A_146 : i32 to vector<16xi32>
    %lt3A_148 = arith.cmpi slt, %add3A_137, %lt3A_147 : vector<16xi32>
    %broadcast_in_dim3A_149 = arith.constant 3 : i32
    %broadcast_in_dim3A_150 = vector.broadcast %broadcast_in_dim3A_149 : i32 to vector<16xi32>
    %select_n3A_151 = arith.select %lt3A_148, %broadcast_in_dim3A_150, %select_n3A_145 : vector<16xi1>, vector<16xi32>
    %lt3A_152 = arith.constant 65 : i32
    %lt3A_153 = vector.broadcast %lt3A_152 : i32 to vector<16xi32>
    %lt3A_154 = arith.cmpi slt, %add3A_137, %lt3A_153 : vector<16xi32>
    %broadcast_in_dim3A_155 = arith.constant 2 : i32
    %broadcast_in_dim3A_156 = vector.broadcast %broadcast_in_dim3A_155 : i32 to vector<16xi32>
    %select_n3A_157 = arith.select %lt3A_154, %broadcast_in_dim3A_156, %select_n3A_151 : vector<16xi1>, vector<16xi32>
    %lt3A_158 = arith.constant 1 : i32
    %lt3A_159 = vector.broadcast %lt3A_158 : i32 to vector<16xi32>
    %lt3A_160 = arith.cmpi slt, %add3A_137, %lt3A_159 : vector<16xi32>
    %broadcast_in_dim3A_161 = arith.constant 0 : i32
    %broadcast_in_dim3A_162 = vector.broadcast %broadcast_in_dim3A_161 : i32 to vector<16xi32>
    %select_n3A_163 = arith.select %lt3A_160, %broadcast_in_dim3A_162, %select_n3A_157 : vector<16xi1>, vector<16xi32>
    %swap3A_164 = arith.constant 64 : index
    %swap3A_165 = tpu.vector_load %arg4[%swap3A_164] {strides = array<i32>} : memref<208xi32, #tpu.memory_space<vmem>>, vector<16xi32>,
    %swap3A_166 = vector.shape_cast %swap3A_165 : vector<16xi32> to vector<16xi32>
    %swap3A_167 = vector.shape_cast %select_n3A_163 : vector<16xi32> to vector<16xi32>
    tpu.vector_store %arg4[%swap3A_164], %swap3A_167 {strides = array<i32>} : memref<208xi32, #tpu.memory_space<vmem>>, vector<16xi32>,
    %iota3A_168 = tpu.iota {dimensions = array<i32: 0>} : vector<16xi32>
    %add3A_169 = arith.constant 80 : i32
    %add3A_170 = vector.broadcast %add3A_169 : i32 to vector<16xi32>
    %add3A_171 = arith.addi %iota3A_168, %add3A_170 : vector<16xi32>
    %broadcast_in_dim3A_172 = arith.constant 5 : i32
    %broadcast_in_dim3A_173 = vector.broadcast %broadcast_in_dim3A_172 : i32 to vector<16xi32>
    %lt3A_174 = arith.constant 166 : i32
    %lt3A_175 = vector.broadcast %lt3A_174 : i32 to vector<16xi32>
    %lt3A_176 = arith.cmpi slt, %add3A_171, %lt3A_175 : vector<16xi32>
    %broadcast_in_dim3A_177 = arith.constant 4 : i32
    %broadcast_in_dim3A_178 = vector.broadcast %broadcast_in_dim3A_177 : i32 to vector<16xi32>
    %select_n3A_179 = arith.select %lt3A_176, %broadcast_in_dim3A_178, %broadcast_in_dim3A_173 : vector<16xi1>, vector<16xi32>
    %lt3A_180 = arith.constant 66 : i32
    %lt3A_181 = vector.broadcast %lt3A_180 : i32 to vector<16xi32>
    %lt3A_182 = arith.cmpi slt, %add3A_171, %lt3A_181 : vector<16xi32>
    %broadcast_in_dim3A_183 = arith.constant 3 : i32
    %broadcast_in_dim3A_184 = vector.broadcast %broadcast_in_dim3A_183 : i32 to vector<16xi32>
    %select_n3A_185 = arith.select %lt3A_182, %broadcast_in_dim3A_184, %select_n3A_179 : vector<16xi1>, vector<16xi32>
    %lt3A_186 = arith.constant 65 : i32
    %lt3A_187 = vector.broadcast %lt3A_186 : i32 to vector<16xi32>
    %lt3A_188 = arith.cmpi slt, %add3A_171, %lt3A_187 : vector<16xi32>
    %broadcast_in_dim3A_189 = arith.constant 2 : i32
    %broadcast_in_dim3A_190 = vector.broadcast %broadcast_in_dim3A_189 : i32 to vector<16xi32>
    %select_n3A_191 = arith.select %lt3A_188, %broadcast_in_dim3A_190, %select_n3A_185 : vector<16xi1>, vector<16xi32>
    %lt3A_192 = arith.constant 1 : i32
    %lt3A_193 = vector.broadcast %lt3A_192 : i32 to vector<16xi32>
    %lt3A_194 = arith.cmpi slt, %add3A_171, %lt3A_193 : vector<16xi32>
    %broadcast_in_dim3A_195 = arith.constant 0 : i32
    %broadcast_in_dim3A_196 = vector.broadcast %broadcast_in_dim3A_195 : i32 to vector<16xi32>
    %select_n3A_197 = arith.select %lt3A_194, %broadcast_in_dim3A_196, %select_n3A_191 : vector<16xi1>, vector<16xi32>
    %swap3A_198 = arith.constant 80 : index
    %swap3A_199 = tpu.vector_load %arg4[%swap3A_198] {strides = array<i32>} : memref<208xi32, #tpu.memory_space<vmem>>, vector<16xi32>,
    %swap3A_200 = vector.shape_cast %swap3A_199 : vector<16xi32> to vector<16xi32>
    %swap3A_201 = vector.shape_cast %select_n3A_197 : vector<16xi32> to vector<16xi32>
    tpu.vector_store %arg4[%swap3A_198], %swap3A_201 {strides = array<i32>} : memref<208xi32, #tpu.memory_space<vmem>>, vector<16xi32>,
    %iota3A_202 = tpu.iota {dimensions = array<i32: 0>} : vector<16xi32>
    %add3A_203 = arith.constant 96 : i32
    %add3A_204 = vector.broadcast %add3A_203 : i32 to vector<16xi32>
    %add3A_205 = arith.addi %iota3A_202, %add3A_204 : vector<16xi32>
    %broadcast_in_dim3A_206 = arith.constant 5 : i32
    %broadcast_in_dim3A_207 = vector.broadcast %broadcast_in_dim3A_206 : i32 to vector<16xi32>
    %lt3A_208 = arith.constant 166 : i32
    %lt3A_209 = vector.broadcast %lt3A_208 : i32 to vector<16xi32>
    %lt3A_210 = arith.cmpi slt, %add3A_205, %lt3A_209 : vector<16xi32>
    %broadcast_in_dim3A_211 = arith.constant 4 : i32
    %broadcast_in_dim3A_212 = vector.broadcast %broadcast_in_dim3A_211 : i32 to vector<16xi32>
    %select_n3A_213 = arith.select %lt3A_210, %broadcast_in_dim3A_212, %broadcast_in_dim3A_207 : vector<16xi1>, vector<16xi32>
    %lt3A_214 = arith.constant 66 : i32
    %lt3A_215 = vector.broadcast %lt3A_214 : i32 to vector<16xi32>
    %lt3A_216 = arith.cmpi slt, %add3A_205, %lt3A_215 : vector<16xi32>
    %broadcast_in_dim3A_217 = arith.constant 3 : i32
    %broadcast_in_dim3A_218 = vector.broadcast %broadcast_in_dim3A_217 : i32 to vector<16xi32>
    %select_n3A_219 = arith.select %lt3A_216, %broadcast_in_dim3A_218, %select_n3A_213 : vector<16xi1>, vector<16xi32>
    %lt3A_220 = arith.constant 65 : i32
    %lt3A_221 = vector.broadcast %lt3A_220 : i32 to vector<16xi32>
    %lt3A_222 = arith.cmpi slt, %add3A_205, %lt3A_221 : vector<16xi32>
    %broadcast_in_dim3A_223 = arith.constant 2 : i32
    %broadcast_in_dim3A_224 = vector.broadcast %broadcast_in_dim3A_223 : i32 to vector<16xi32>
    %select_n3A_225 = arith.select %lt3A_222, %broadcast_in_dim3A_224, %select_n3A_219 : vector<16xi1>, vector<16xi32>
    %lt3A_226 = arith.constant 1 : i32
    %lt3A_227 = vector.broadcast %lt3A_226 : i32 to vector<16xi32>
    %lt3A_228 = arith.cmpi slt, %add3A_205, %lt3A_227 : vector<16xi32>
    %broadcast_in_dim3A_229 = arith.constant 0 : i32
    %broadcast_in_dim3A_230 = vector.broadcast %broadcast_in_dim3A_229 : i32 to vector<16xi32>
    %select_n3A_231 = arith.select %lt3A_228, %broadcast_in_dim3A_230, %select_n3A_225 : vector<16xi1>, vector<16xi32>
    %swap3A_232 = arith.constant 96 : index
    %swap3A_233 = tpu.vector_load %arg4[%swap3A_232] {strides = array<i32>} : memref<208xi32, #tpu.memory_space<vmem>>, vector<16xi32>,
    %swap3A_234 = vector.shape_cast %swap3A_233 : vector<16xi32> to vector<16xi32>
    %swap3A_235 = vector.shape_cast %select_n3A_231 : vector<16xi32> to vector<16xi32>
    tpu.vector_store %arg4[%swap3A_232], %swap3A_235 {strides = array<i32>} : memref<208xi32, #tpu.memory_space<vmem>>, vector<16xi32>,
    %iota3A_236 = tpu.iota {dimensions = array<i32: 0>} : vector<16xi32>
    %add3A_237 = arith.constant 112 : i32
    %add3A_238 = vector.broadcast %add3A_237 : i32 to vector<16xi32>
    %add3A_239 = arith.addi %iota3A_236, %add3A_238 : vector<16xi32>
    %broadcast_in_dim3A_240 = arith.constant 5 : i32
    %broadcast_in_dim3A_241 = vector.broadcast %broadcast_in_dim3A_240 : i32 to vector<16xi32>
    %lt3A_242 = arith.constant 166 : i32
    %lt3A_243 = vector.broadcast %lt3A_242 : i32 to vector<16xi32>
    %lt3A_244 = arith.cmpi slt, %add3A_239, %lt3A_243 : vector<16xi32>
    %broadcast_in_dim3A_245 = arith.constant 4 : i32
    %broadcast_in_dim3A_246 = vector.broadcast %broadcast_in_dim3A_245 : i32 to vector<16xi32>
    %select_n3A_247 = arith.select %lt3A_244, %broadcast_in_dim3A_246, %broadcast_in_dim3A_241 : vector<16xi1>, vector<16xi32>
    %lt3A_248 = arith.constant 66 : i32
    %lt3A_249 = vector.broadcast %lt3A_248 : i32 to vector<16xi32>
    %lt3A_250 = arith.cmpi slt, %add3A_239, %lt3A_249 : vector<16xi32>
    %broadcast_in_dim3A_251 = arith.constant 3 : i32
    %broadcast_in_dim3A_252 = vector.broadcast %broadcast_in_dim3A_251 : i32 to vector<16xi32>
    %select_n3A_253 = arith.select %lt3A_250, %broadcast_in_dim3A_252, %select_n3A_247 : vector<16xi1>, vector<16xi32>
    %lt3A_254 = arith.constant 65 : i32
    %lt3A_255 = vector.broadcast %lt3A_254 : i32 to vector<16xi32>
    %lt3A_256 = arith.cmpi slt, %add3A_239, %lt3A_255 : vector<16xi32>
    %broadcast_in_dim3A_257 = arith.constant 2 : i32
    %broadcast_in_dim3A_258 = vector.broadcast %broadcast_in_dim3A_257 : i32 to vector<16xi32>
    %select_n3A_259 = arith.select %lt3A_256, %broadcast_in_dim3A_258, %select_n3A_253 : vector<16xi1>, vector<16xi32>
    %lt3A_260 = arith.constant 1 : i32
    %lt3A_261 = vector.broadcast %lt3A_260 : i32 to vector<16xi32>
    %lt3A_262 = arith.cmpi slt, %add3A_239, %lt3A_261 : vector<16xi32>
    %broadcast_in_dim3A_263 = arith.constant 0 : i32
    %broadcast_in_dim3A_264 = vector.broadcast %broadcast_in_dim3A_263 : i32 to vector<16xi32>
    %select_n3A_265 = arith.select %lt3A_262, %broadcast_in_dim3A_264, %select_n3A_259 : vector<16xi1>, vector<16xi32>
    %swap3A_266 = arith.constant 112 : index
    %swap3A_267 = tpu.vector_load %arg4[%swap3A_266] {strides = array<i32>} : memref<208xi32, #tpu.memory_space<vmem>>, vector<16xi32>,
    %swap3A_268 = vector.shape_cast %swap3A_267 : vector<16xi32> to vector<16xi32>
    %swap3A_269 = vector.shape_cast %select_n3A_265 : vector<16xi32> to vector<16xi32>
    tpu.vector_store %arg4[%swap3A_266], %swap3A_269 {strides = array<i32>} : memref<208xi32, #tpu.memory_space<vmem>>, vector<16xi32>,
    %iota3A_270 = tpu.iota {dimensions = array<i32: 0>} : vector<16xi32>
    %add3A_271 = arith.constant 128 : i32
    %add3A_272 = vector.broadcast %add3A_271 : i32 to vector<16xi32>
    %add3A_273 = arith.addi %iota3A_270, %add3A_272 : vector<16xi32>
    %broadcast_in_dim3A_274 = arith.constant 5 : i32
    %broadcast_in_dim3A_275 = vector.broadcast %broadcast_in_dim3A_274 : i32 to vector<16xi32>
    %lt3A_276 = arith.constant 166 : i32
    %lt3A_277 = vector.broadcast %lt3A_276 : i32 to vector<16xi32>
    %lt3A_278 = arith.cmpi slt, %add3A_273, %lt3A_277 : vector<16xi32>
    %broadcast_in_dim3A_279 = arith.constant 4 : i32
    %broadcast_in_dim3A_280 = vector.broadcast %broadcast_in_dim3A_279 : i32 to vector<16xi32>
    %select_n3A_281 = arith.select %lt3A_278, %broadcast_in_dim3A_280, %broadcast_in_dim3A_275 : vector<16xi1>, vector<16xi32>
    %lt3A_282 = arith.constant 66 : i32
    %lt3A_283 = vector.broadcast %lt3A_282 : i32 to vector<16xi32>
    %lt3A_284 = arith.cmpi slt, %add3A_273, %lt3A_283 : vector<16xi32>
    %broadcast_in_dim3A_285 = arith.constant 3 : i32
    %broadcast_in_dim3A_286 = vector.broadcast %broadcast_in_dim3A_285 : i32 to vector<16xi32>
    %select_n3A_287 = arith.select %lt3A_284, %broadcast_in_dim3A_286, %select_n3A_281 : vector<16xi1>, vector<16xi32>
    %lt3A_288 = arith.constant 65 : i32
    %lt3A_289 = vector.broadcast %lt3A_288 : i32 to vector<16xi32>
    %lt3A_290 = arith.cmpi slt, %add3A_273, %lt3A_289 : vector<16xi32>
    %broadcast_in_dim3A_291 = arith.constant 2 : i32
    %broadcast_in_dim3A_292 = vector.broadcast %broadcast_in_dim3A_291 : i32 to vector<16xi32>
    %select_n3A_293 = arith.select %lt3A_290, %broadcast_in_dim3A_292, %select_n3A_287 : vector<16xi1>, vector<16xi32>
    %lt3A_294 = arith.constant 1 : i32
    %lt3A_295 = vector.broadcast %lt3A_294 : i32 to vector<16xi32>
    %lt3A_296 = arith.cmpi slt, %add3A_273, %lt3A_295 : vector<16xi32>
    %broadcast_in_dim3A_297 = arith.constant 0 : i32
    %broadcast_in_dim3A_298 = vector.broadcast %broadcast_in_dim3A_297 : i32 to vector<16xi32>
    %select_n3A_299 = arith.select %lt3A_296, %broadcast_in_dim3A_298, %select_n3A_293 : vector<16xi1>, vector<16xi32>
    %swap3A_300 = arith.constant 128 : index
    %swap3A_301 = tpu.vector_load %arg4[%swap3A_300] {strides = array<i32>} : memref<208xi32, #tpu.memory_space<vmem>>, vector<16xi32>,
    %swap3A_302 = vector.shape_cast %swap3A_301 : vector<16xi32> to vector<16xi32>
    %swap3A_303 = vector.shape_cast %select_n3A_299 : vector<16xi32> to vector<16xi32>
    tpu.vector_store %arg4[%swap3A_300], %swap3A_303 {strides = array<i32>} : memref<208xi32, #tpu.memory_space<vmem>>, vector<16xi32>,
    %iota3A_304 = tpu.iota {dimensions = array<i32: 0>} : vector<16xi32>
    %add3A_305 = arith.constant 144 : i32
    %add3A_306 = vector.broadcast %add3A_305 : i32 to vector<16xi32>
    %add3A_307 = arith.addi %iota3A_304, %add3A_306 : vector<16xi32>
    %broadcast_in_dim3A_308 = arith.constant 5 : i32
    %broadcast_in_dim3A_309 = vector.broadcast %broadcast_in_dim3A_308 : i32 to vector<16xi32>
    %lt3A_310 = arith.constant 166 : i32
    %lt3A_311 = vector.broadcast %lt3A_310 : i32 to vector<16xi32>
    %lt3A_312 = arith.cmpi slt, %add3A_307, %lt3A_311 : vector<16xi32>
    %broadcast_in_dim3A_313 = arith.constant 4 : i32
    %broadcast_in_dim3A_314 = vector.broadcast %broadcast_in_dim3A_313 : i32 to vector<16xi32>
    %select_n3A_315 = arith.select %lt3A_312, %broadcast_in_dim3A_314, %broadcast_in_dim3A_309 : vector<16xi1>, vector<16xi32>
    %lt3A_316 = arith.constant 66 : i32
    %lt3A_317 = vector.broadcast %lt3A_316 : i32 to vector<16xi32>
    %lt3A_318 = arith.cmpi slt, %add3A_307, %lt3A_317 : vector<16xi32>
    %broadcast_in_dim3A_319 = arith.constant 3 : i32
    %broadcast_in_dim3A_320 = vector.broadcast %broadcast_in_dim3A_319 : i32 to vector<16xi32>
    %select_n3A_321 = arith.select %lt3A_318, %broadcast_in_dim3A_320, %select_n3A_315 : vector<16xi1>, vector<16xi32>
    %lt3A_322 = arith.constant 65 : i32
    %lt3A_323 = vector.broadcast %lt3A_322 : i32 to vector<16xi32>
    %lt3A_324 = arith.cmpi slt, %add3A_307, %lt3A_323 : vector<16xi32>
    %broadcast_in_dim3A_325 = arith.constant 2 : i32
    %broadcast_in_dim3A_326 = vector.broadcast %broadcast_in_dim3A_325 : i32 to vector<16xi32>
    %select_n3A_327 = arith.select %lt3A_324, %broadcast_in_dim3A_326, %select_n3A_321 : vector<16xi1>, vector<16xi32>
    %lt3A_328 = arith.constant 1 : i32
    %lt3A_329 = vector.broadcast %lt3A_328 : i32 to vector<16xi32>
    %lt3A_330 = arith.cmpi slt, %add3A_307, %lt3A_329 : vector<16xi32>
    %broadcast_in_dim3A_331 = arith.constant 0 : i32
    %broadcast_in_dim3A_332 = vector.broadcast %broadcast_in_dim3A_331 : i32 to vector<16xi32>
    %select_n3A_333 = arith.select %lt3A_330, %broadcast_in_dim3A_332, %select_n3A_327 : vector<16xi1>, vector<16xi32>
    %swap3A_334 = arith.constant 144 : index
    %swap3A_335 = tpu.vector_load %arg4[%swap3A_334] {strides = array<i32>} : memref<208xi32, #tpu.memory_space<vmem>>, vector<16xi32>,
    %swap3A_336 = vector.shape_cast %swap3A_335 : vector<16xi32> to vector<16xi32>
    %swap3A_337 = vector.shape_cast %select_n3A_333 : vector<16xi32> to vector<16xi32>
    tpu.vector_store %arg4[%swap3A_334], %swap3A_337 {strides = array<i32>} : memref<208xi32, #tpu.memory_space<vmem>>, vector<16xi32>,
    %iota3A_338 = tpu.iota {dimensions = array<i32: 0>} : vector<16xi32>
    %add3A_339 = arith.constant 160 : i32
    %add3A_340 = vector.broadcast %add3A_339 : i32 to vector<16xi32>
    %add3A_341 = arith.addi %iota3A_338, %add3A_340 : vector<16xi32>
    %broadcast_in_dim3A_342 = arith.constant 5 : i32
    %broadcast_in_dim3A_343 = vector.broadcast %broadcast_in_dim3A_342 : i32 to vector<16xi32>
    %lt3A_344 = arith.constant 166 : i32
    %lt3A_345 = vector.broadcast %lt3A_344 : i32 to vector<16xi32>
    %lt3A_346 = arith.cmpi slt, %add3A_341, %lt3A_345 : vector<16xi32>
    %broadcast_in_dim3A_347 = arith.constant 4 : i32
    %broadcast_in_dim3A_348 = vector.broadcast %broadcast_in_dim3A_347 : i32 to vector<16xi32>
    %select_n3A_349 = arith.select %lt3A_346, %broadcast_in_dim3A_348, %broadcast_in_dim3A_343 : vector<16xi1>, vector<16xi32>
    %lt3A_350 = arith.constant 66 : i32
    %lt3A_351 = vector.broadcast %lt3A_350 : i32 to vector<16xi32>
    %lt3A_352 = arith.cmpi slt, %add3A_341, %lt3A_351 : vector<16xi32>
    %broadcast_in_dim3A_353 = arith.constant 3 : i32
    %broadcast_in_dim3A_354 = vector.broadcast %broadcast_in_dim3A_353 : i32 to vector<16xi32>
    %select_n3A_355 = arith.select %lt3A_352, %broadcast_in_dim3A_354, %select_n3A_349 : vector<16xi1>, vector<16xi32>
    %lt3A_356 = arith.constant 65 : i32
    %lt3A_357 = vector.broadcast %lt3A_356 : i32 to vector<16xi32>
    %lt3A_358 = arith.cmpi slt, %add3A_341, %lt3A_357 : vector<16xi32>
    %broadcast_in_dim3A_359 = arith.constant 2 : i32
    %broadcast_in_dim3A_360 = vector.broadcast %broadcast_in_dim3A_359 : i32 to vector<16xi32>
    %select_n3A_361 = arith.select %lt3A_358, %broadcast_in_dim3A_360, %select_n3A_355 : vector<16xi1>, vector<16xi32>
    %lt3A_362 = arith.constant 1 : i32
    %lt3A_363 = vector.broadcast %lt3A_362 : i32 to vector<16xi32>
    %lt3A_364 = arith.cmpi slt, %add3A_341, %lt3A_363 : vector<16xi32>
    %broadcast_in_dim3A_365 = arith.constant 0 : i32
    %broadcast_in_dim3A_366 = vector.broadcast %broadcast_in_dim3A_365 : i32 to vector<16xi32>
    %select_n3A_367 = arith.select %lt3A_364, %broadcast_in_dim3A_366, %select_n3A_361 : vector<16xi1>, vector<16xi32>
    %swap3A_368 = arith.constant 160 : index
    %swap3A_369 = tpu.vector_load %arg4[%swap3A_368] {strides = array<i32>} : memref<208xi32, #tpu.memory_space<vmem>>, vector<16xi32>,
    %swap3A_370 = vector.shape_cast %swap3A_369 : vector<16xi32> to vector<16xi32>
    %swap3A_371 = vector.shape_cast %select_n3A_367 : vector<16xi32> to vector<16xi32>
    tpu.vector_store %arg4[%swap3A_368], %swap3A_371 {strides = array<i32>} : memref<208xi32, #tpu.memory_space<vmem>>, vector<16xi32>,
    %iota3A_372 = tpu.iota {dimensions = array<i32: 0>} : vector<16xi32>
    %add3A_373 = arith.constant 176 : i32
    %add3A_374 = vector.broadcast %add3A_373 : i32 to vector<16xi32>
    %add3A_375 = arith.addi %iota3A_372, %add3A_374 : vector<16xi32>
    %broadcast_in_dim3A_376 = arith.constant 5 : i32
    %broadcast_in_dim3A_377 = vector.broadcast %broadcast_in_dim3A_376 : i32 to vector<16xi32>
    %lt3A_378 = arith.constant 166 : i32
    %lt3A_379 = vector.broadcast %lt3A_378 : i32 to vector<16xi32>
    %lt3A_380 = arith.cmpi slt, %add3A_375, %lt3A_379 : vector<16xi32>
    %broadcast_in_dim3A_381 = arith.constant 4 : i32
    %broadcast_in_dim3A_382 = vector.broadcast %broadcast_in_dim3A_381 : i32 to vector<16xi32>
    %select_n3A_383 = arith.select %lt3A_380, %broadcast_in_dim3A_382, %broadcast_in_dim3A_377 : vector<16xi1>, vector<16xi32>
    %lt3A_384 = arith.constant 66 : i32
    %lt3A_385 = vector.broadcast %lt3A_384 : i32 to vector<16xi32>
    %lt3A_386 = arith.cmpi slt, %add3A_375, %lt3A_385 : vector<16xi32>
    %broadcast_in_dim3A_387 = arith.constant 3 : i32
    %broadcast_in_dim3A_388 = vector.broadcast %broadcast_in_dim3A_387 : i32 to vector<16xi32>
    %select_n3A_389 = arith.select %lt3A_386, %broadcast_in_dim3A_388, %select_n3A_383 : vector<16xi1>, vector<16xi32>
    %lt3A_390 = arith.constant 65 : i32
    %lt3A_391 = vector.broadcast %lt3A_390 : i32 to vector<16xi32>
    %lt3A_392 = arith.cmpi slt, %add3A_375, %lt3A_391 : vector<16xi32>
    %broadcast_in_dim3A_393 = arith.constant 2 : i32
    %broadcast_in_dim3A_394 = vector.broadcast %broadcast_in_dim3A_393 : i32 to vector<16xi32>
    %select_n3A_395 = arith.select %lt3A_392, %broadcast_in_dim3A_394, %select_n3A_389 : vector<16xi1>, vector<16xi32>
    %lt3A_396 = arith.constant 1 : i32
    %lt3A_397 = vector.broadcast %lt3A_396 : i32 to vector<16xi32>
    %lt3A_398 = arith.cmpi slt, %add3A_375, %lt3A_397 : vector<16xi32>
    %broadcast_in_dim3A_399 = arith.constant 0 : i32
    %broadcast_in_dim3A_400 = vector.broadcast %broadcast_in_dim3A_399 : i32 to vector<16xi32>
    %select_n3A_401 = arith.select %lt3A_398, %broadcast_in_dim3A_400, %select_n3A_395 : vector<16xi1>, vector<16xi32>
    %swap3A_402 = arith.constant 176 : index
    %swap3A_403 = tpu.vector_load %arg4[%swap3A_402] {strides = array<i32>} : memref<208xi32, #tpu.memory_space<vmem>>, vector<16xi32>,
    %swap3A_404 = vector.shape_cast %swap3A_403 : vector<16xi32> to vector<16xi32>
    %swap3A_405 = vector.shape_cast %select_n3A_401 : vector<16xi32> to vector<16xi32>
    tpu.vector_store %arg4[%swap3A_402], %swap3A_405 {strides = array<i32>} : memref<208xi32, #tpu.memory_space<vmem>>, vector<16xi32>,
    %iota3A_406 = tpu.iota {dimensions = array<i32: 0>} : vector<16xi32>
    %add3A_407 = arith.constant 192 : i32
    %add3A_408 = vector.broadcast %add3A_407 : i32 to vector<16xi32>
    %add3A_409 = arith.addi %iota3A_406, %add3A_408 : vector<16xi32>
    %broadcast_in_dim3A_410 = arith.constant 5 : i32
    %broadcast_in_dim3A_411 = vector.broadcast %broadcast_in_dim3A_410 : i32 to vector<16xi32>
    %lt3A_412 = arith.constant 166 : i32
    %lt3A_413 = vector.broadcast %lt3A_412 : i32 to vector<16xi32>
    %lt3A_414 = arith.cmpi slt, %add3A_409, %lt3A_413 : vector<16xi32>
    %broadcast_in_dim3A_415 = arith.constant 4 : i32
    %broadcast_in_dim3A_416 = vector.broadcast %broadcast_in_dim3A_415 : i32 to vector<16xi32>
    %select_n3A_417 = arith.select %lt3A_414, %broadcast_in_dim3A_416, %broadcast_in_dim3A_411 : vector<16xi1>, vector<16xi32>
    %lt3A_418 = arith.constant 66 : i32
    %lt3A_419 = vector.broadcast %lt3A_418 : i32 to vector<16xi32>
    %lt3A_420 = arith.cmpi slt, %add3A_409, %lt3A_419 : vector<16xi32>
    %broadcast_in_dim3A_421 = arith.constant 3 : i32
    %broadcast_in_dim3A_422 = vector.broadcast %broadcast_in_dim3A_421 : i32 to vector<16xi32>
    %select_n3A_423 = arith.select %lt3A_420, %broadcast_in_dim3A_422, %select_n3A_417 : vector<16xi1>, vector<16xi32>
    %lt3A_424 = arith.constant 65 : i32
    %lt3A_425 = vector.broadcast %lt3A_424 : i32 to vector<16xi32>
    %lt3A_426 = arith.cmpi slt, %add3A_409, %lt3A_425 : vector<16xi32>
    %broadcast_in_dim3A_427 = arith.constant 2 : i32
    %broadcast_in_dim3A_428 = vector.broadcast %broadcast_in_dim3A_427 : i32 to vector<16xi32>
    %select_n3A_429 = arith.select %lt3A_426, %broadcast_in_dim3A_428, %select_n3A_423 : vector<16xi1>, vector<16xi32>
    %lt3A_430 = arith.constant 1 : i32
    %lt3A_431 = vector.broadcast %lt3A_430 : i32 to vector<16xi32>
    %lt3A_432 = arith.cmpi slt, %add3A_409, %lt3A_431 : vector<16xi32>
    %broadcast_in_dim3A_433 = arith.constant 0 : i32
    %broadcast_in_dim3A_434 = vector.broadcast %broadcast_in_dim3A_433 : i32 to vector<16xi32>
    %select_n3A_435 = arith.select %lt3A_432, %broadcast_in_dim3A_434, %select_n3A_429 : vector<16xi1>, vector<16xi32>
    %swap3A_436 = arith.constant 192 : index
    %swap3A_437 = tpu.vector_load %arg4[%swap3A_436] {strides = array<i32>} : memref<208xi32, #tpu.memory_space<vmem>>, vector<16xi32>,
    %swap3A_438 = vector.shape_cast %swap3A_437 : vector<16xi32> to vector<16xi32>
    %swap3A_439 = vector.shape_cast %select_n3A_435 : vector<16xi32> to vector<16xi32>
    tpu.vector_store %arg4[%swap3A_436], %swap3A_439 {strides = array<i32>} : memref<208xi32, #tpu.memory_space<vmem>>, vector<16xi32>,
    %dma_start3A = arith.constant 0 : i32
    %dma_start3A_440 = arith.constant 0 : i32
    %dma_start3A_441 = tpu.memref_slice %arg5[%dma_start3A, %dma_start3A_440] : memref<206x128xf32, #tpu.memory_space<vmem>> -> memref<128x128xf32, #tpu.memory_space<vmem>>
    %dma_start3A_442 = arith.constant 0 : i32
    %dma_start3A_443 = tpu.memref_slice %arg4[%dma_start3A_442] : memref<208xi32, #tpu.memory_space<vmem>> -> memref<128xi32, #tpu.memory_space<vmem>>
    %dma_start3A_444 = arith.constant 0 : i32
    %dma_start3A_445 = arith.constant 0 : i32
    %dma_start3A_446 = tpu.memref_slice %arg2[%dma_start3A_444, %dma_start3A_445] : memref<6x128xf32, #tpu.memory_space<hbm>> -> memref<6x128xf32, #tpu.memory_space<hbm>>
    tpu.enqueue_indirect_dma source(%dma_start3A_446 : memref<6x128xf32, #tpu.memory_space<hbm>>) target(%dma_start3A_441 : memref<128x128xf32, #tpu.memory_space<vmem>>) offsets(%dma_start3A_443 : memref<128xi32, #tpu.memory_space<vmem>>) semaphore(%arg6 : memref<!tpu.dma_semaphore, #tpu.memory_space<semaphore_mem>>)
    %dma_start3A_447 = arith.constant 128 : i32
    %dma_start3A_448 = arith.constant 0 : i32
    %dma_start3A_449 = tpu.memref_slice %arg5[%dma_start3A_447, %dma_start3A_448] : memref<206x128xf32, #tpu.memory_space<vmem>> -> memref<78x128xf32, #tpu.memory_space<vmem>>
    %dma_start3A_450 = arith.constant 128 : i32
    %dma_start3A_451 = tpu.memref_slice %arg4[%dma_start3A_450] : memref<208xi32, #tpu.memory_space<vmem>> -> memref<78xi32, #tpu.memory_space<vmem>>
    %dma_start3A_452 = arith.constant 0 : i32
    %dma_start3A_453 = arith.constant 0 : i32
    %dma_start3A_454 = tpu.memref_slice %arg2[%dma_start3A_452, %dma_start3A_453] : memref<6x128xf32, #tpu.memory_space<hbm>> -> memref<6x128xf32, #tpu.memory_space<hbm>>
    tpu.enqueue_indirect_dma source(%dma_start3A_454 : memref<6x128xf32, #tpu.memory_space<hbm>>) target(%dma_start3A_449 : memref<78x128xf32, #tpu.memory_space<vmem>>) offsets(%dma_start3A_451 : memref<78xi32, #tpu.memory_space<vmem>>) semaphore(%arg6 : memref<!tpu.dma_semaphore, #tpu.memory_space<semaphore_mem>>)
    %dma_wait3A = arith.constant 0 : i32
    %dma_wait3A_455 = arith.constant 0 : i32
    %dma_wait3A_456 = tpu.memref_slice %arg5[%dma_wait3A, %dma_wait3A_455] : memref<206x128xf32, #tpu.memory_space<vmem>> -> memref<128x128xf32, #tpu.memory_space<vmem>>
    %dma_wait3A_457 = arith.constant 0 : i32
    %dma_wait3A_458 = tpu.memref_slice %arg4[%dma_wait3A_457] : memref<208xi32, #tpu.memory_space<vmem>> -> memref<128xi32, #tpu.memory_space<vmem>>
    %dma_wait3A_459 = arith.constant 0 : i32
    %dma_wait3A_460 = arith.constant 0 : i32
    %dma_wait3A_461 = tpu.memref_slice %arg2[%dma_wait3A_459, %dma_wait3A_460] : memref<6x128xf32, #tpu.memory_space<hbm>> -> memref<6x128xf32, #tpu.memory_space<hbm>>
    tpu.wait_indirect_dma semaphore(%arg6 : memref<!tpu.dma_semaphore, #tpu.memory_space<semaphore_mem>>) src(%dma_wait3A_461 : memref<6x128xf32, #tpu.memory_space<hbm>>) dst(%dma_wait3A_456 : memref<128x128xf32, #tpu.memory_space<vmem>>)
    %dma_wait3A_462 = arith.constant 128 : i32
    %dma_wait3A_463 = arith.constant 0 : i32
    %dma_wait3A_464 = tpu.memref_slice %arg5[%dma_wait3A_462, %dma_wait3A_463] : memref<206x128xf32, #tpu.memory_space<vmem>> -> memref<78x128xf32, #tpu.memory_space<vmem>>
    %dma_wait3A_465 = arith.constant 128 : i32
    %dma_wait3A_466 = tpu.memref_slice %arg4[%dma_wait3A_465] : memref<208xi32, #tpu.memory_space<vmem>> -> memref<78xi32, #tpu.memory_space<vmem>>
    %dma_wait3A_467 = arith.constant 0 : i32
    %dma_wait3A_468 = arith.constant 0 : i32
    %dma_wait3A_469 = tpu.memref_slice %arg2[%dma_wait3A_467, %dma_wait3A_468] : memref<6x128xf32, #tpu.memory_space<hbm>> -> memref<6x128xf32, #tpu.memory_space<hbm>>
    tpu.wait_indirect_dma semaphore(%arg6 : memref<!tpu.dma_semaphore, #tpu.memory_space<semaphore_mem>>) src(%dma_wait3A_469 : memref<6x128xf32, #tpu.memory_space<hbm>>) dst(%dma_wait3A_464 : memref<78x128xf32, #tpu.memory_space<vmem>>)
    %add3A_470 = arith.constant 0 : i32
    %add3A_471 = arith.addi %mul3A_2, %add3A_470 : i32
    %dma_start3A_472 = arith.constant 0 : i32
    %dma_start3A_473 = arith.constant 0 : i32
    %dma_start3A_474 = tpu.memref_slice %arg3[%add3A_471, %dma_start3A_472, %dma_start3A_473] : memref<1024x206x128xf32, #tpu.memory_space<hbm>> -> memref<1x206x128xf32, #tpu.memory_space<hbm>>
    %dma_start3A_475 = tpu.memref_squeeze %dma_start3A_474 : memref<1x206x128xf32, #tpu.memory_space<hbm>> -> memref<206x128xf32, #tpu.memory_space<hbm>>
    %dma_start3A_476 = arith.constant 0 : i32
    %dma_start3A_477 = arith.constant 0 : i32
    %dma_start3A_478 = tpu.memref_slice %arg3[%add3A_471, %dma_start3A_476, %dma_start3A_477] : memref<1024x206x128xf32, #tpu.memory_space<hbm>> -> memref<1x206x128xf32, #tpu.memory_space<hbm>>
    %dma_start3A_479 = tpu.memref_squeeze %dma_start3A_478 : memref<1x206x128xf32, #tpu.memory_space<hbm>> -> memref<206x128xf32, #tpu.memory_space<hbm>>
    tpu.enqueue_dma source(%arg5 : memref<206x128xf32, #tpu.memory_space<vmem>>) target(%dma_start3A_479 : memref<206x128xf32, #tpu.memory_space<hbm>>) target_semaphore(%arg6 : memref<!tpu.dma_semaphore, #tpu.memory_space<semaphore_mem>>)
    %add3A_480 = arith.constant 1 : i32
    %add3A_481 = arith.addi %mul3A_2, %add3A_480 : i32
    %dma_start3A_482 = arith.constant 0 : i32
    %dma_start3A_483 = arith.constant 0 : i32
    %dma_start3A_484 = tpu.memref_slice %arg3[%add3A_481, %dma_start3A_482, %dma_start3A_483] : memref<1024x206x128xf32, #tpu.memory_space<hbm>> -> memref<1x206x128xf32, #tpu.memory_space<hbm>>
    %dma_start3A_485 = tpu.memref_squeeze %dma_start3A_484 : memref<1x206x128xf32, #tpu.memory_space<hbm>> -> memref<206x128xf32, #tpu.memory_space<hbm>>
    %dma_start3A_486 = arith.constant 0 : i32
    %dma_start3A_487 = arith.constant 0 : i32
    %dma_start3A_488 = tpu.memref_slice %arg3[%add3A_481, %dma_start3A_486, %dma_start3A_487] : memref<1024x206x128xf32, #tpu.memory_space<hbm>> -> memref<1x206x128xf32, #tpu.memory_space<hbm>>
    %dma_start3A_489 = tpu.memref_squeeze %dma_start3A_488 : memref<1x206x128xf32, #tpu.memory_space<hbm>> -> memref<206x128xf32, #tpu.memory_space<hbm>>
    tpu.enqueue_dma source(%arg5 : memref<206x128xf32, #tpu.memory_space<vmem>>) target(%dma_start3A_489 : memref<206x128xf32, #tpu.memory_space<hbm>>) target_semaphore(%arg6 : memref<!tpu.dma_semaphore, #tpu.memory_space<semaphore_mem>>)
    %add3A_490 = arith.constant 2 : i32
    %add3A_491 = arith.addi %mul3A_2, %add3A_490 : i32
    %dma_start3A_492 = arith.constant 0 : i32
    %dma_start3A_493 = arith.constant 0 : i32
    %dma_start3A_494 = tpu.memref_slice %arg3[%add3A_491, %dma_start3A_492, %dma_start3A_493] : memref<1024x206x128xf32, #tpu.memory_space<hbm>> -> memref<1x206x128xf32, #tpu.memory_space<hbm>>
    %dma_start3A_495 = tpu.memref_squeeze %dma_start3A_494 : memref<1x206x128xf32, #tpu.memory_space<hbm>> -> memref<206x128xf32, #tpu.memory_space<hbm>>
    %dma_start3A_496 = arith.constant 0 : i32
    %dma_start3A_497 = arith.constant 0 : i32
    %dma_start3A_498 = tpu.memref_slice %arg3[%add3A_491, %dma_start3A_496, %dma_start3A_497] : memref<1024x206x128xf32, #tpu.memory_space<hbm>> -> memref<1x206x128xf32, #tpu.memory_space<hbm>>
    %dma_start3A_499 = tpu.memref_squeeze %dma_start3A_498 : memref<1x206x128xf32, #tpu.memory_space<hbm>> -> memref<206x128xf32, #tpu.memory_space<hbm>>
    tpu.enqueue_dma source(%arg5 : memref<206x128xf32, #tpu.memory_space<vmem>>) target(%dma_start3A_499 : memref<206x128xf32, #tpu.memory_space<hbm>>) target_semaphore(%arg6 : memref<!tpu.dma_semaphore, #tpu.memory_space<semaphore_mem>>)
    %add3A_500 = arith.constant 3 : i32
    %add3A_501 = arith.addi %mul3A_2, %add3A_500 : i32
    %dma_start3A_502 = arith.constant 0 : i32
    %dma_start3A_503 = arith.constant 0 : i32
    %dma_start3A_504 = tpu.memref_slice %arg3[%add3A_501, %dma_start3A_502, %dma_start3A_503] : memref<1024x206x128xf32, #tpu.memory_space<hbm>> -> memref<1x206x128xf32, #tpu.memory_space<hbm>>
    %dma_start3A_505 = tpu.memref_squeeze %dma_start3A_504 : memref<1x206x128xf32, #tpu.memory_space<hbm>> -> memref<206x128xf32, #tpu.memory_space<hbm>>
    %dma_start3A_506 = arith.constant 0 : i32
    %dma_start3A_507 = arith.constant 0 : i32
    %dma_start3A_508 = tpu.memref_slice %arg3[%add3A_501, %dma_start3A_506, %dma_start3A_507] : memref<1024x206x128xf32, #tpu.memory_space<hbm>> -> memref<1x206x128xf32, #tpu.memory_space<hbm>>
    %dma_start3A_509 = tpu.memref_squeeze %dma_start3A_508 : memref<1x206x128xf32, #tpu.memory_space<hbm>> -> memref<206x128xf32, #tpu.memory_space<hbm>>
    tpu.enqueue_dma source(%arg5 : memref<206x128xf32, #tpu.memory_space<vmem>>) target(%dma_start3A_509 : memref<206x128xf32, #tpu.memory_space<hbm>>) target_semaphore(%arg6 : memref<!tpu.dma_semaphore, #tpu.memory_space<semaphore_mem>>)
    %add3A_510 = arith.constant 4 : i32
    %add3A_511 = arith.addi %mul3A_2, %add3A_510 : i32
    %dma_start3A_512 = arith.constant 0 : i32
    %dma_start3A_513 = arith.constant 0 : i32
    %dma_start3A_514 = tpu.memref_slice %arg3[%add3A_511, %dma_start3A_512, %dma_start3A_513] : memref<1024x206x128xf32, #tpu.memory_space<hbm>> -> memref<1x206x128xf32, #tpu.memory_space<hbm>>
    %dma_start3A_515 = tpu.memref_squeeze %dma_start3A_514 : memref<1x206x128xf32, #tpu.memory_space<hbm>> -> memref<206x128xf32, #tpu.memory_space<hbm>>
    %dma_start3A_516 = arith.constant 0 : i32
    %dma_start3A_517 = arith.constant 0 : i32
    %dma_start3A_518 = tpu.memref_slice %arg3[%add3A_511, %dma_start3A_516, %dma_start3A_517] : memref<1024x206x128xf32, #tpu.memory_space<hbm>> -> memref<1x206x128xf32, #tpu.memory_space<hbm>>
    %dma_start3A_519 = tpu.memref_squeeze %dma_start3A_518 : memref<1x206x128xf32, #tpu.memory_space<hbm>> -> memref<206x128xf32, #tpu.memory_space<hbm>>
    tpu.enqueue_dma source(%arg5 : memref<206x128xf32, #tpu.memory_space<vmem>>) target(%dma_start3A_519 : memref<206x128xf32, #tpu.memory_space<hbm>>) target_semaphore(%arg6 : memref<!tpu.dma_semaphore, #tpu.memory_space<semaphore_mem>>)
    %add3A_520 = arith.constant 5 : i32
    %add3A_521 = arith.addi %mul3A_2, %add3A_520 : i32
    %dma_start3A_522 = arith.constant 0 : i32
    %dma_start3A_523 = arith.constant 0 : i32
    %dma_start3A_524 = tpu.memref_slice %arg3[%add3A_521, %dma_start3A_522, %dma_start3A_523] : memref<1024x206x128xf32, #tpu.memory_space<hbm>> -> memref<1x206x128xf32, #tpu.memory_space<hbm>>
    %dma_start3A_525 = tpu.memref_squeeze %dma_start3A_524 : memref<1x206x128xf32, #tpu.memory_space<hbm>> -> memref<206x128xf32, #tpu.memory_space<hbm>>
    %dma_start3A_526 = arith.constant 0 : i32
    %dma_start3A_527 = arith.constant 0 : i32
    %dma_start3A_528 = tpu.memref_slice %arg3[%add3A_521, %dma_start3A_526, %dma_start3A_527] : memref<1024x206x128xf32, #tpu.memory_space<hbm>> -> memref<1x206x128xf32, #tpu.memory_space<hbm>>
    %dma_start3A_529 = tpu.memref_squeeze %dma_start3A_528 : memref<1x206x128xf32, #tpu.memory_space<hbm>> -> memref<206x128xf32, #tpu.memory_space<hbm>>
    tpu.enqueue_dma source(%arg5 : memref<206x128xf32, #tpu.memory_space<vmem>>) target(%dma_start3A_529 : memref<206x128xf32, #tpu.memory_space<hbm>>) target_semaphore(%arg6 : memref<!tpu.dma_semaphore, #tpu.memory_space<semaphore_mem>>)
    %add3A_530 = arith.constant 6 : i32
    %add3A_531 = arith.addi %mul3A_2, %add3A_530 : i32
    %dma_start3A_532 = arith.constant 0 : i32
    %dma_start3A_533 = arith.constant 0 : i32
    %dma_start3A_534 = tpu.memref_slice %arg3[%add3A_531, %dma_start3A_532, %dma_start3A_533] : memref<1024x206x128xf32, #tpu.memory_space<hbm>> -> memref<1x206x128xf32, #tpu.memory_space<hbm>>
    %dma_start3A_535 = tpu.memref_squeeze %dma_start3A_534 : memref<1x206x128xf32, #tpu.memory_space<hbm>> -> memref<206x128xf32, #tpu.memory_space<hbm>>
    %dma_start3A_536 = arith.constant 0 : i32
    %dma_start3A_537 = arith.constant 0 : i32
    %dma_start3A_538 = tpu.memref_slice %arg3[%add3A_531, %dma_start3A_536, %dma_start3A_537] : memref<1024x206x128xf32, #tpu.memory_space<hbm>> -> memref<1x206x128xf32, #tpu.memory_space<hbm>>
    %dma_start3A_539 = tpu.memref_squeeze %dma_start3A_538 : memref<1x206x128xf32, #tpu.memory_space<hbm>> -> memref<206x128xf32, #tpu.memory_space<hbm>>
    tpu.enqueue_dma source(%arg5 : memref<206x128xf32, #tpu.memory_space<vmem>>) target(%dma_start3A_539 : memref<206x128xf32, #tpu.memory_space<hbm>>) target_semaphore(%arg6 : memref<!tpu.dma_semaphore, #tpu.memory_space<semaphore_mem>>)
    %add3A_540 = arith.constant 7 : i32
    %add3A_541 = arith.addi %mul3A_2, %add3A_540 : i32
    %dma_start3A_542 = arith.constant 0 : i32
    %dma_start3A_543 = arith.constant 0 : i32
    %dma_start3A_544 = tpu.memref_slice %arg3[%add3A_541, %dma_start3A_542, %dma_start3A_543] : memref<1024x206x128xf32, #tpu.memory_space<hbm>> -> memref<1x206x128xf32, #tpu.memory_space<hbm>>
    %dma_start3A_545 = tpu.memref_squeeze %dma_start3A_544 : memref<1x206x128xf32, #tpu.memory_space<hbm>> -> memref<206x128xf32, #tpu.memory_space<hbm>>
    %dma_start3A_546 = arith.constant 0 : i32
    %dma_start3A_547 = arith.constant 0 : i32
    %dma_start3A_548 = tpu.memref_slice %arg3[%add3A_541, %dma_start3A_546, %dma_start3A_547] : memref<1024x206x128xf32, #tpu.memory_space<hbm>> -> memref<1x206x128xf32, #tpu.memory_space<hbm>>
    %dma_start3A_549 = tpu.memref_squeeze %dma_start3A_548 : memref<1x206x128xf32, #tpu.memory_space<hbm>> -> memref<206x128xf32, #tpu.memory_space<hbm>>
    tpu.enqueue_dma source(%arg5 : memref<206x128xf32, #tpu.memory_space<vmem>>) target(%dma_start3A_549 : memref<206x128xf32, #tpu.memory_space<hbm>>) target_semaphore(%arg6 : memref<!tpu.dma_semaphore, #tpu.memory_space<semaphore_mem>>)
    %add3A_550 = arith.constant 8 : i32
    %add3A_551 = arith.addi %mul3A_2, %add3A_550 : i32
    %dma_start3A_552 = arith.constant 0 : i32
    %dma_start3A_553 = arith.constant 0 : i32
    %dma_start3A_554 = tpu.memref_slice %arg3[%add3A_551, %dma_start3A_552, %dma_start3A_553] : memref<1024x206x128xf32, #tpu.memory_space<hbm>> -> memref<1x206x128xf32, #tpu.memory_space<hbm>>
    %dma_start3A_555 = tpu.memref_squeeze %dma_start3A_554 : memref<1x206x128xf32, #tpu.memory_space<hbm>> -> memref<206x128xf32, #tpu.memory_space<hbm>>
    %dma_start3A_556 = arith.constant 0 : i32
    %dma_start3A_557 = arith.constant 0 : i32
    %dma_start3A_558 = tpu.memref_slice %arg3[%add3A_551, %dma_start3A_556, %dma_start3A_557] : memref<1024x206x128xf32, #tpu.memory_space<hbm>> -> memref<1x206x128xf32, #tpu.memory_space<hbm>>
    %dma_start3A_559 = tpu.memref_squeeze %dma_start3A_558 : memref<1x206x128xf32, #tpu.memory_space<hbm>> -> memref<206x128xf32, #tpu.memory_space<hbm>>
    tpu.enqueue_dma source(%arg5 : memref<206x128xf32, #tpu.memory_space<vmem>>) target(%dma_start3A_559 : memref<206x128xf32, #tpu.memory_space<hbm>>) target_semaphore(%arg6 : memref<!tpu.dma_semaphore, #tpu.memory_space<semaphore_mem>>)
    %add3A_560 = arith.constant 9 : i32
    %add3A_561 = arith.addi %mul3A_2, %add3A_560 : i32
    %dma_start3A_562 = arith.constant 0 : i32
    %dma_start3A_563 = arith.constant 0 : i32
    %dma_start3A_564 = tpu.memref_slice %arg3[%add3A_561, %dma_start3A_562, %dma_start3A_563] : memref<1024x206x128xf32, #tpu.memory_space<hbm>> -> memref<1x206x128xf32, #tpu.memory_space<hbm>>
    %dma_start3A_565 = tpu.memref_squeeze %dma_start3A_564 : memref<1x206x128xf32, #tpu.memory_space<hbm>> -> memref<206x128xf32, #tpu.memory_space<hbm>>
    %dma_start3A_566 = arith.constant 0 : i32
    %dma_start3A_567 = arith.constant 0 : i32
    %dma_start3A_568 = tpu.memref_slice %arg3[%add3A_561, %dma_start3A_566, %dma_start3A_567] : memref<1024x206x128xf32, #tpu.memory_space<hbm>> -> memref<1x206x128xf32, #tpu.memory_space<hbm>>
    %dma_start3A_569 = tpu.memref_squeeze %dma_start3A_568 : memref<1x206x128xf32, #tpu.memory_space<hbm>> -> memref<206x128xf32, #tpu.memory_space<hbm>>
    tpu.enqueue_dma source(%arg5 : memref<206x128xf32, #tpu.memory_space<vmem>>) target(%dma_start3A_569 : memref<206x128xf32, #tpu.memory_space<hbm>>) target_semaphore(%arg6 : memref<!tpu.dma_semaphore, #tpu.memory_space<semaphore_mem>>)
    %add3A_570 = arith.constant 10 : i32
    %add3A_571 = arith.addi %mul3A_2, %add3A_570 : i32
    %dma_start3A_572 = arith.constant 0 : i32
    %dma_start3A_573 = arith.constant 0 : i32
    %dma_start3A_574 = tpu.memref_slice %arg3[%add3A_571, %dma_start3A_572, %dma_start3A_573] : memref<1024x206x128xf32, #tpu.memory_space<hbm>> -> memref<1x206x128xf32, #tpu.memory_space<hbm>>
    %dma_start3A_575 = tpu.memref_squeeze %dma_start3A_574 : memref<1x206x128xf32, #tpu.memory_space<hbm>> -> memref<206x128xf32, #tpu.memory_space<hbm>>
    %dma_start3A_576 = arith.constant 0 : i32
    %dma_start3A_577 = arith.constant 0 : i32
    %dma_start3A_578 = tpu.memref_slice %arg3[%add3A_571, %dma_start3A_576, %dma_start3A_577] : memref<1024x206x128xf32, #tpu.memory_space<hbm>> -> memref<1x206x128xf32, #tpu.memory_space<hbm>>
    %dma_start3A_579 = tpu.memref_squeeze %dma_start3A_578 : memref<1x206x128xf32, #tpu.memory_space<hbm>> -> memref<206x128xf32, #tpu.memory_space<hbm>>
    tpu.enqueue_dma source(%arg5 : memref<206x128xf32, #tpu.memory_space<vmem>>) target(%dma_start3A_579 : memref<206x128xf32, #tpu.memory_space<hbm>>) target_semaphore(%arg6 : memref<!tpu.dma_semaphore, #tpu.memory_space<semaphore_mem>>)
    %add3A_580 = arith.constant 11 : i32
    %add3A_581 = arith.addi %mul3A_2, %add3A_580 : i32
    %dma_start3A_582 = arith.constant 0 : i32
    %dma_start3A_583 = arith.constant 0 : i32
    %dma_start3A_584 = tpu.memref_slice %arg3[%add3A_581, %dma_start3A_582, %dma_start3A_583] : memref<1024x206x128xf32, #tpu.memory_space<hbm>> -> memref<1x206x128xf32, #tpu.memory_space<hbm>>
    %dma_start3A_585 = tpu.memref_squeeze %dma_start3A_584 : memref<1x206x128xf32, #tpu.memory_space<hbm>> -> memref<206x128xf32, #tpu.memory_space<hbm>>
    %dma_start3A_586 = arith.constant 0 : i32
    %dma_start3A_587 = arith.constant 0 : i32
    %dma_start3A_588 = tpu.memref_slice %arg3[%add3A_581, %dma_start3A_586, %dma_start3A_587] : memref<1024x206x128xf32, #tpu.memory_space<hbm>> -> memref<1x206x128xf32, #tpu.memory_space<hbm>>
    %dma_start3A_589 = tpu.memref_squeeze %dma_start3A_588 : memref<1x206x128xf32, #tpu.memory_space<hbm>> -> memref<206x128xf32, #tpu.memory_space<hbm>>
    tpu.enqueue_dma source(%arg5 : memref<206x128xf32, #tpu.memory_space<vmem>>) target(%dma_start3A_589 : memref<206x128xf32, #tpu.memory_space<hbm>>) target_semaphore(%arg6 : memref<!tpu.dma_semaphore, #tpu.memory_space<semaphore_mem>>)
    %add3A_590 = arith.constant 12 : i32
    %add3A_591 = arith.addi %mul3A_2, %add3A_590 : i32
    %dma_start3A_592 = arith.constant 0 : i32
    %dma_start3A_593 = arith.constant 0 : i32
    %dma_start3A_594 = tpu.memref_slice %arg3[%add3A_591, %dma_start3A_592, %dma_start3A_593] : memref<1024x206x128xf32, #tpu.memory_space<hbm>> -> memref<1x206x128xf32, #tpu.memory_space<hbm>>
    %dma_start3A_595 = tpu.memref_squeeze %dma_start3A_594 : memref<1x206x128xf32, #tpu.memory_space<hbm>> -> memref<206x128xf32, #tpu.memory_space<hbm>>
    %dma_start3A_596 = arith.constant 0 : i32
    %dma_start3A_597 = arith.constant 0 : i32
    %dma_start3A_598 = tpu.memref_slice %arg3[%add3A_591, %dma_start3A_596, %dma_start3A_597] : memref<1024x206x128xf32, #tpu.memory_space<hbm>> -> memref<1x206x128xf32, #tpu.memory_space<hbm>>
    %dma_start3A_599 = tpu.memref_squeeze %dma_start3A_598 : memref<1x206x128xf32, #tpu.memory_space<hbm>> -> memref<206x128xf32, #tpu.memory_space<hbm>>
    tpu.enqueue_dma source(%arg5 : memref<206x128xf32, #tpu.memory_space<vmem>>) target(%dma_start3A_599 : memref<206x128xf32, #tpu.memory_space<hbm>>) target_semaphore(%arg6 : memref<!tpu.dma_semaphore, #tpu.memory_space<semaphore_mem>>)
    %add3A_600 = arith.constant 13 : i32
    %add3A_601 = arith.addi %mul3A_2, %add3A_600 : i32
    %dma_start3A_602 = arith.constant 0 : i32
    %dma_start3A_603 = arith.constant 0 : i32
    %dma_start3A_604 = tpu.memref_slice %arg3[%add3A_601, %dma_start3A_602, %dma_start3A_603] : memref<1024x206x128xf32, #tpu.memory_space<hbm>> -> memref<1x206x128xf32, #tpu.memory_space<hbm>>
    %dma_start3A_605 = tpu.memref_squeeze %dma_start3A_604 : memref<1x206x128xf32, #tpu.memory_space<hbm>> -> memref<206x128xf32, #tpu.memory_space<hbm>>
    %dma_start3A_606 = arith.constant 0 : i32
    %dma_start3A_607 = arith.constant 0 : i32
    %dma_start3A_608 = tpu.memref_slice %arg3[%add3A_601, %dma_start3A_606, %dma_start3A_607] : memref<1024x206x128xf32, #tpu.memory_space<hbm>> -> memref<1x206x128xf32, #tpu.memory_space<hbm>>
    %dma_start3A_609 = tpu.memref_squeeze %dma_start3A_608 : memref<1x206x128xf32, #tpu.memory_space<hbm>> -> memref<206x128xf32, #tpu.memory_space<hbm>>
    tpu.enqueue_dma source(%arg5 : memref<206x128xf32, #tpu.memory_space<vmem>>) target(%dma_start3A_609 : memref<206x128xf32, #tpu.memory_space<hbm>>) target_semaphore(%arg6 : memref<!tpu.dma_semaphore, #tpu.memory_space<semaphore_mem>>)
    %add3A_610 = arith.constant 14 : i32
    %add3A_611 = arith.addi %mul3A_2, %add3A_610 : i32
    %dma_start3A_612 = arith.constant 0 : i32
    %dma_start3A_613 = arith.constant 0 : i32
    %dma_start3A_614 = tpu.memref_slice %arg3[%add3A_611, %dma_start3A_612, %dma_start3A_613] : memref<1024x206x128xf32, #tpu.memory_space<hbm>> -> memref<1x206x128xf32, #tpu.memory_space<hbm>>
    %dma_start3A_615 = tpu.memref_squeeze %dma_start3A_614 : memref<1x206x128xf32, #tpu.memory_space<hbm>> -> memref<206x128xf32, #tpu.memory_space<hbm>>
    %dma_start3A_616 = arith.constant 0 : i32
    %dma_start3A_617 = arith.constant 0 : i32
    %dma_start3A_618 = tpu.memref_slice %arg3[%add3A_611, %dma_start3A_616, %dma_start3A_617] : memref<1024x206x128xf32, #tpu.memory_space<hbm>> -> memref<1x206x128xf32, #tpu.memory_space<hbm>>
    %dma_start3A_619 = tpu.memref_squeeze %dma_start3A_618 : memref<1x206x128xf32, #tpu.memory_space<hbm>> -> memref<206x128xf32, #tpu.memory_space<hbm>>
    tpu.enqueue_dma source(%arg5 : memref<206x128xf32, #tpu.memory_space<vmem>>) target(%dma_start3A_619 : memref<206x128xf32, #tpu.memory_space<hbm>>) target_semaphore(%arg6 : memref<!tpu.dma_semaphore, #tpu.memory_space<semaphore_mem>>)
    %add3A_620 = arith.constant 15 : i32
    %add3A_621 = arith.addi %mul3A_2, %add3A_620 : i32
    %dma_start3A_622 = arith.constant 0 : i32
    %dma_start3A_623 = arith.constant 0 : i32
    %dma_start3A_624 = tpu.memref_slice %arg3[%add3A_621, %dma_start3A_622, %dma_start3A_623] : memref<1024x206x128xf32, #tpu.memory_space<hbm>> -> memref<1x206x128xf32, #tpu.memory_space<hbm>>
    %dma_start3A_625 = tpu.memref_squeeze %dma_start3A_624 : memref<1x206x128xf32, #tpu.memory_space<hbm>> -> memref<206x128xf32, #tpu.memory_space<hbm>>
    %dma_start3A_626 = arith.constant 0 : i32
    %dma_start3A_627 = arith.constant 0 : i32
    %dma_start3A_628 = tpu.memref_slice %arg3[%add3A_621, %dma_start3A_626, %dma_start3A_627] : memref<1024x206x128xf32, #tpu.memory_space<hbm>> -> memref<1x206x128xf32, #tpu.memory_space<hbm>>
    %dma_start3A_629 = tpu.memref_squeeze %dma_start3A_628 : memref<1x206x128xf32, #tpu.memory_space<hbm>> -> memref<206x128xf32, #tpu.memory_space<hbm>>
    tpu.enqueue_dma source(%arg5 : memref<206x128xf32, #tpu.memory_space<vmem>>) target(%dma_start3A_629 : memref<206x128xf32, #tpu.memory_space<hbm>>) target_semaphore(%arg6 : memref<!tpu.dma_semaphore, #tpu.memory_space<semaphore_mem>>)
    %add3A_630 = arith.constant 16 : i32
    %add3A_631 = arith.addi %mul3A_2, %add3A_630 : i32
    %dma_start3A_632 = arith.constant 0 : i32
    %dma_start3A_633 = arith.constant 0 : i32
    %dma_start3A_634 = tpu.memref_slice %arg3[%add3A_631, %dma_start3A_632, %dma_start3A_633] : memref<1024x206x128xf32, #tpu.memory_space<hbm>> -> memref<1x206x128xf32, #tpu.memory_space<hbm>>
    %dma_start3A_635 = tpu.memref_squeeze %dma_start3A_634 : memref<1x206x128xf32, #tpu.memory_space<hbm>> -> memref<206x128xf32, #tpu.memory_space<hbm>>
    %dma_start3A_636 = arith.constant 0 : i32
    %dma_start3A_637 = arith.constant 0 : i32
    %dma_start3A_638 = tpu.memref_slice %arg3[%add3A_631, %dma_start3A_636, %dma_start3A_637] : memref<1024x206x128xf32, #tpu.memory_space<hbm>> -> memref<1x206x128xf32, #tpu.memory_space<hbm>>
    %dma_start3A_639 = tpu.memref_squeeze %dma_start3A_638 : memref<1x206x128xf32, #tpu.memory_space<hbm>> -> memref<206x128xf32, #tpu.memory_space<hbm>>
    tpu.enqueue_dma source(%arg5 : memref<206x128xf32, #tpu.memory_space<vmem>>) target(%dma_start3A_639 : memref<206x128xf32, #tpu.memory_space<hbm>>) target_semaphore(%arg6 : memref<!tpu.dma_semaphore, #tpu.memory_space<semaphore_mem>>)
    %add3A_640 = arith.constant 17 : i32
    %add3A_641 = arith.addi %mul3A_2, %add3A_640 : i32
    %dma_start3A_642 = arith.constant 0 : i32
    %dma_start3A_643 = arith.constant 0 : i32
    %dma_start3A_644 = tpu.memref_slice %arg3[%add3A_641, %dma_start3A_642, %dma_start3A_643] : memref<1024x206x128xf32, #tpu.memory_space<hbm>> -> memref<1x206x128xf32, #tpu.memory_space<hbm>>
    %dma_start3A_645 = tpu.memref_squeeze %dma_start3A_644 : memref<1x206x128xf32, #tpu.memory_space<hbm>> -> memref<206x128xf32, #tpu.memory_space<hbm>>
    %dma_start3A_646 = arith.constant 0 : i32
    %dma_start3A_647 = arith.constant 0 : i32
    %dma_start3A_648 = tpu.memref_slice %arg3[%add3A_641, %dma_start3A_646, %dma_start3A_647] : memref<1024x206x128xf32, #tpu.memory_space<hbm>> -> memref<1x206x128xf32, #tpu.memory_space<hbm>>
    %dma_start3A_649 = tpu.memref_squeeze %dma_start3A_648 : memref<1x206x128xf32, #tpu.memory_space<hbm>> -> memref<206x128xf32, #tpu.memory_space<hbm>>
    tpu.enqueue_dma source(%arg5 : memref<206x128xf32, #tpu.memory_space<vmem>>) target(%dma_start3A_649 : memref<206x128xf32, #tpu.memory_space<hbm>>) target_semaphore(%arg6 : memref<!tpu.dma_semaphore, #tpu.memory_space<semaphore_mem>>)
    %add3A_650 = arith.constant 18 : i32
    %add3A_651 = arith.addi %mul3A_2, %add3A_650 : i32
    %dma_start3A_652 = arith.constant 0 : i32
    %dma_start3A_653 = arith.constant 0 : i32
    %dma_start3A_654 = tpu.memref_slice %arg3[%add3A_651, %dma_start3A_652, %dma_start3A_653] : memref<1024x206x128xf32, #tpu.memory_space<hbm>> -> memref<1x206x128xf32, #tpu.memory_space<hbm>>
    %dma_start3A_655 = tpu.memref_squeeze %dma_start3A_654 : memref<1x206x128xf32, #tpu.memory_space<hbm>> -> memref<206x128xf32, #tpu.memory_space<hbm>>
    %dma_start3A_656 = arith.constant 0 : i32
    %dma_start3A_657 = arith.constant 0 : i32
    %dma_start3A_658 = tpu.memref_slice %arg3[%add3A_651, %dma_start3A_656, %dma_start3A_657] : memref<1024x206x128xf32, #tpu.memory_space<hbm>> -> memref<1x206x128xf32, #tpu.memory_space<hbm>>
    %dma_start3A_659 = tpu.memref_squeeze %dma_start3A_658 : memref<1x206x128xf32, #tpu.memory_space<hbm>> -> memref<206x128xf32, #tpu.memory_space<hbm>>
    tpu.enqueue_dma source(%arg5 : memref<206x128xf32, #tpu.memory_space<vmem>>) target(%dma_start3A_659 : memref<206x128xf32, #tpu.memory_space<hbm>>) target_semaphore(%arg6 : memref<!tpu.dma_semaphore, #tpu.memory_space<semaphore_mem>>)
    %add3A_660 = arith.constant 19 : i32
    %add3A_661 = arith.addi %mul3A_2, %add3A_660 : i32
    %dma_start3A_662 = arith.constant 0 : i32
    %dma_start3A_663 = arith.constant 0 : i32
    %dma_start3A_664 = tpu.memref_slice %arg3[%add3A_661, %dma_start3A_662, %dma_start3A_663] : memref<1024x206x128xf32, #tpu.memory_space<hbm>> -> memref<1x206x128xf32, #tpu.memory_space<hbm>>
    %dma_start3A_665 = tpu.memref_squeeze %dma_start3A_664 : memref<1x206x128xf32, #tpu.memory_space<hbm>> -> memref<206x128xf32, #tpu.memory_space<hbm>>
    %dma_start3A_666 = arith.constant 0 : i32
    %dma_start3A_667 = arith.constant 0 : i32
    %dma_start3A_668 = tpu.memref_slice %arg3[%add3A_661, %dma_start3A_666, %dma_start3A_667] : memref<1024x206x128xf32, #tpu.memory_space<hbm>> -> memref<1x206x128xf32, #tpu.memory_space<hbm>>
    %dma_start3A_669 = tpu.memref_squeeze %dma_start3A_668 : memref<1x206x128xf32, #tpu.memory_space<hbm>> -> memref<206x128xf32, #tpu.memory_space<hbm>>
    tpu.enqueue_dma source(%arg5 : memref<206x128xf32, #tpu.memory_space<vmem>>) target(%dma_start3A_669 : memref<206x128xf32, #tpu.memory_space<hbm>>) target_semaphore(%arg6 : memref<!tpu.dma_semaphore, #tpu.memory_space<semaphore_mem>>)
    %add3A_670 = arith.constant 20 : i32
    %add3A_671 = arith.addi %mul3A_2, %add3A_670 : i32
    %dma_start3A_672 = arith.constant 0 : i32
    %dma_start3A_673 = arith.constant 0 : i32
    %dma_start3A_674 = tpu.memref_slice %arg3[%add3A_671, %dma_start3A_672, %dma_start3A_673] : memref<1024x206x128xf32, #tpu.memory_space<hbm>> -> memref<1x206x128xf32, #tpu.memory_space<hbm>>
    %dma_start3A_675 = tpu.memref_squeeze %dma_start3A_674 : memref<1x206x128xf32, #tpu.memory_space<hbm>> -> memref<206x128xf32, #tpu.memory_space<hbm>>
    %dma_start3A_676 = arith.constant 0 : i32
    %dma_start3A_677 = arith.constant 0 : i32
    %dma_start3A_678 = tpu.memref_slice %arg3[%add3A_671, %dma_start3A_676, %dma_start3A_677] : memref<1024x206x128xf32, #tpu.memory_space<hbm>> -> memref<1x206x128xf32, #tpu.memory_space<hbm>>
    %dma_start3A_679 = tpu.memref_squeeze %dma_start3A_678 : memref<1x206x128xf32, #tpu.memory_space<hbm>> -> memref<206x128xf32, #tpu.memory_space<hbm>>
    tpu.enqueue_dma source(%arg5 : memref<206x128xf32, #tpu.memory_space<vmem>>) target(%dma_start3A_679 : memref<206x128xf32, #tpu.memory_space<hbm>>) target_semaphore(%arg6 : memref<!tpu.dma_semaphore, #tpu.memory_space<semaphore_mem>>)
    %add3A_680 = arith.constant 21 : i32
    %add3A_681 = arith.addi %mul3A_2, %add3A_680 : i32
    %dma_start3A_682 = arith.constant 0 : i32
    %dma_start3A_683 = arith.constant 0 : i32
    %dma_start3A_684 = tpu.memref_slice %arg3[%add3A_681, %dma_start3A_682, %dma_start3A_683] : memref<1024x206x128xf32, #tpu.memory_space<hbm>> -> memref<1x206x128xf32, #tpu.memory_space<hbm>>
    %dma_start3A_685 = tpu.memref_squeeze %dma_start3A_684 : memref<1x206x128xf32, #tpu.memory_space<hbm>> -> memref<206x128xf32, #tpu.memory_space<hbm>>
    %dma_start3A_686 = arith.constant 0 : i32
    %dma_start3A_687 = arith.constant 0 : i32
    %dma_start3A_688 = tpu.memref_slice %arg3[%add3A_681, %dma_start3A_686, %dma_start3A_687] : memref<1024x206x128xf32, #tpu.memory_space<hbm>> -> memref<1x206x128xf32, #tpu.memory_space<hbm>>
    %dma_start3A_689 = tpu.memref_squeeze %dma_start3A_688 : memref<1x206x128xf32, #tpu.memory_space<hbm>> -> memref<206x128xf32, #tpu.memory_space<hbm>>
    tpu.enqueue_dma source(%arg5 : memref<206x128xf32, #tpu.memory_space<vmem>>) target(%dma_start3A_689 : memref<206x128xf32, #tpu.memory_space<hbm>>) target_semaphore(%arg6 : memref<!tpu.dma_semaphore, #tpu.memory_space<semaphore_mem>>)
    %add3A_690 = arith.constant 22 : i32
    %add3A_691 = arith.addi %mul3A_2, %add3A_690 : i32
    %dma_start3A_692 = arith.constant 0 : i32
    %dma_start3A_693 = arith.constant 0 : i32
    %dma_start3A_694 = tpu.memref_slice %arg3[%add3A_691, %dma_start3A_692, %dma_start3A_693] : memref<1024x206x128xf32, #tpu.memory_space<hbm>> -> memref<1x206x128xf32, #tpu.memory_space<hbm>>
    %dma_start3A_695 = tpu.memref_squeeze %dma_start3A_694 : memref<1x206x128xf32, #tpu.memory_space<hbm>> -> memref<206x128xf32, #tpu.memory_space<hbm>>
    %dma_start3A_696 = arith.constant 0 : i32
    %dma_start3A_697 = arith.constant 0 : i32
    %dma_start3A_698 = tpu.memref_slice %arg3[%add3A_691, %dma_start3A_696, %dma_start3A_697] : memref<1024x206x128xf32, #tpu.memory_space<hbm>> -> memref<1x206x128xf32, #tpu.memory_space<hbm>>
    %dma_start3A_699 = tpu.memref_squeeze %dma_start3A_698 : memref<1x206x128xf32, #tpu.memory_space<hbm>> -> memref<206x128xf32, #tpu.memory_space<hbm>>
    tpu.enqueue_dma source(%arg5 : memref<206x128xf32, #tpu.memory_space<vmem>>) target(%dma_start3A_699 : memref<206x128xf32, #tpu.memory_space<hbm>>) target_semaphore(%arg6 : memref<!tpu.dma_semaphore, #tpu.memory_space<semaphore_mem>>)
    %add3A_700 = arith.constant 23 : i32
    %add3A_701 = arith.addi %mul3A_2, %add3A_700 : i32
    %dma_start3A_702 = arith.constant 0 : i32
    %dma_start3A_703 = arith.constant 0 : i32
    %dma_start3A_704 = tpu.memref_slice %arg3[%add3A_701, %dma_start3A_702, %dma_start3A_703] : memref<1024x206x128xf32, #tpu.memory_space<hbm>> -> memref<1x206x128xf32, #tpu.memory_space<hbm>>
    %dma_start3A_705 = tpu.memref_squeeze %dma_start3A_704 : memref<1x206x128xf32, #tpu.memory_space<hbm>> -> memref<206x128xf32, #tpu.memory_space<hbm>>
    %dma_start3A_706 = arith.constant 0 : i32
    %dma_start3A_707 = arith.constant 0 : i32
    %dma_start3A_708 = tpu.memref_slice %arg3[%add3A_701, %dma_start3A_706, %dma_start3A_707] : memref<1024x206x128xf32, #tpu.memory_space<hbm>> -> memref<1x206x128xf32, #tpu.memory_space<hbm>>
    %dma_start3A_709 = tpu.memref_squeeze %dma_start3A_708 : memref<1x206x128xf32, #tpu.memory_space<hbm>> -> memref<206x128xf32, #tpu.memory_space<hbm>>
    tpu.enqueue_dma source(%arg5 : memref<206x128xf32, #tpu.memory_space<vmem>>) target(%dma_start3A_709 : memref<206x128xf32, #tpu.memory_space<hbm>>) target_semaphore(%arg6 : memref<!tpu.dma_semaphore, #tpu.memory_space<semaphore_mem>>)
    %add3A_710 = arith.constant 24 : i32
    %add3A_711 = arith.addi %mul3A_2, %add3A_710 : i32
    %dma_start3A_712 = arith.constant 0 : i32
    %dma_start3A_713 = arith.constant 0 : i32
    %dma_start3A_714 = tpu.memref_slice %arg3[%add3A_711, %dma_start3A_712, %dma_start3A_713] : memref<1024x206x128xf32, #tpu.memory_space<hbm>> -> memref<1x206x128xf32, #tpu.memory_space<hbm>>
    %dma_start3A_715 = tpu.memref_squeeze %dma_start3A_714 : memref<1x206x128xf32, #tpu.memory_space<hbm>> -> memref<206x128xf32, #tpu.memory_space<hbm>>
    %dma_start3A_716 = arith.constant 0 : i32
    %dma_start3A_717 = arith.constant 0 : i32
    %dma_start3A_718 = tpu.memref_slice %arg3[%add3A_711, %dma_start3A_716, %dma_start3A_717] : memref<1024x206x128xf32, #tpu.memory_space<hbm>> -> memref<1x206x128xf32, #tpu.memory_space<hbm>>
    %dma_start3A_719 = tpu.memref_squeeze %dma_start3A_718 : memref<1x206x128xf32, #tpu.memory_space<hbm>> -> memref<206x128xf32, #tpu.memory_space<hbm>>
    tpu.enqueue_dma source(%arg5 : memref<206x128xf32, #tpu.memory_space<vmem>>) target(%dma_start3A_719 : memref<206x128xf32, #tpu.memory_space<hbm>>) target_semaphore(%arg6 : memref<!tpu.dma_semaphore, #tpu.memory_space<semaphore_mem>>)
    %add3A_720 = arith.constant 25 : i32
    %add3A_721 = arith.addi %mul3A_2, %add3A_720 : i32
    %dma_start3A_722 = arith.constant 0 : i32
    %dma_start3A_723 = arith.constant 0 : i32
    %dma_start3A_724 = tpu.memref_slice %arg3[%add3A_721, %dma_start3A_722, %dma_start3A_723] : memref<1024x206x128xf32, #tpu.memory_space<hbm>> -> memref<1x206x128xf32, #tpu.memory_space<hbm>>
    %dma_start3A_725 = tpu.memref_squeeze %dma_start3A_724 : memref<1x206x128xf32, #tpu.memory_space<hbm>> -> memref<206x128xf32, #tpu.memory_space<hbm>>
    %dma_start3A_726 = arith.constant 0 : i32
    %dma_start3A_727 = arith.constant 0 : i32
    %dma_start3A_728 = tpu.memref_slice %arg3[%add3A_721, %dma_start3A_726, %dma_start3A_727] : memref<1024x206x128xf32, #tpu.memory_space<hbm>> -> memref<1x206x128xf32, #tpu.memory_space<hbm>>
    %dma_start3A_729 = tpu.memref_squeeze %dma_start3A_728 : memref<1x206x128xf32, #tpu.memory_space<hbm>> -> memref<206x128xf32, #tpu.memory_space<hbm>>
    tpu.enqueue_dma source(%arg5 : memref<206x128xf32, #tpu.memory_space<vmem>>) target(%dma_start3A_729 : memref<206x128xf32, #tpu.memory_space<hbm>>) target_semaphore(%arg6 : memref<!tpu.dma_semaphore, #tpu.memory_space<semaphore_mem>>)
    %add3A_730 = arith.constant 26 : i32
    %add3A_731 = arith.addi %mul3A_2, %add3A_730 : i32
    %dma_start3A_732 = arith.constant 0 : i32
    %dma_start3A_733 = arith.constant 0 : i32
    %dma_start3A_734 = tpu.memref_slice %arg3[%add3A_731, %dma_start3A_732, %dma_start3A_733] : memref<1024x206x128xf32, #tpu.memory_space<hbm>> -> memref<1x206x128xf32, #tpu.memory_space<hbm>>
    %dma_start3A_735 = tpu.memref_squeeze %dma_start3A_734 : memref<1x206x128xf32, #tpu.memory_space<hbm>> -> memref<206x128xf32, #tpu.memory_space<hbm>>
    %dma_start3A_736 = arith.constant 0 : i32
    %dma_start3A_737 = arith.constant 0 : i32
    %dma_start3A_738 = tpu.memref_slice %arg3[%add3A_731, %dma_start3A_736, %dma_start3A_737] : memref<1024x206x128xf32, #tpu.memory_space<hbm>> -> memref<1x206x128xf32, #tpu.memory_space<hbm>>
    %dma_start3A_739 = tpu.memref_squeeze %dma_start3A_738 : memref<1x206x128xf32, #tpu.memory_space<hbm>> -> memref<206x128xf32, #tpu.memory_space<hbm>>
    tpu.enqueue_dma source(%arg5 : memref<206x128xf32, #tpu.memory_space<vmem>>) target(%dma_start3A_739 : memref<206x128xf32, #tpu.memory_space<hbm>>) target_semaphore(%arg6 : memref<!tpu.dma_semaphore, #tpu.memory_space<semaphore_mem>>)
    %add3A_740 = arith.constant 27 : i32
    %add3A_741 = arith.addi %mul3A_2, %add3A_740 : i32
    %dma_start3A_742 = arith.constant 0 : i32
    %dma_start3A_743 = arith.constant 0 : i32
    %dma_start3A_744 = tpu.memref_slice %arg3[%add3A_741, %dma_start3A_742, %dma_start3A_743] : memref<1024x206x128xf32, #tpu.memory_space<hbm>> -> memref<1x206x128xf32, #tpu.memory_space<hbm>>
    %dma_start3A_745 = tpu.memref_squeeze %dma_start3A_744 : memref<1x206x128xf32, #tpu.memory_space<hbm>> -> memref<206x128xf32, #tpu.memory_space<hbm>>
    %dma_start3A_746 = arith.constant 0 : i32
    %dma_start3A_747 = arith.constant 0 : i32
    %dma_start3A_748 = tpu.memref_slice %arg3[%add3A_741, %dma_start3A_746, %dma_start3A_747] : memref<1024x206x128xf32, #tpu.memory_space<hbm>> -> memref<1x206x128xf32, #tpu.memory_space<hbm>>
    %dma_start3A_749 = tpu.memref_squeeze %dma_start3A_748 : memref<1x206x128xf32, #tpu.memory_space<hbm>> -> memref<206x128xf32, #tpu.memory_space<hbm>>
    tpu.enqueue_dma source(%arg5 : memref<206x128xf32, #tpu.memory_space<vmem>>) target(%dma_start3A_749 : memref<206x128xf32, #tpu.memory_space<hbm>>) target_semaphore(%arg6 : memref<!tpu.dma_semaphore, #tpu.memory_space<semaphore_mem>>)
    %add3A_750 = arith.constant 28 : i32
    %add3A_751 = arith.addi %mul3A_2, %add3A_750 : i32
    %dma_start3A_752 = arith.constant 0 : i32
    %dma_start3A_753 = arith.constant 0 : i32
    %dma_start3A_754 = tpu.memref_slice %arg3[%add3A_751, %dma_start3A_752, %dma_start3A_753] : memref<1024x206x128xf32, #tpu.memory_space<hbm>> -> memref<1x206x128xf32, #tpu.memory_space<hbm>>
    %dma_start3A_755 = tpu.memref_squeeze %dma_start3A_754 : memref<1x206x128xf32, #tpu.memory_space<hbm>> -> memref<206x128xf32, #tpu.memory_space<hbm>>
    %dma_start3A_756 = arith.constant 0 : i32
    %dma_start3A_757 = arith.constant 0 : i32
    %dma_start3A_758 = tpu.memref_slice %arg3[%add3A_751, %dma_start3A_756, %dma_start3A_757] : memref<1024x206x128xf32, #tpu.memory_space<hbm>> -> memref<1x206x128xf32, #tpu.memory_space<hbm>>
    %dma_start3A_759 = tpu.memref_squeeze %dma_start3A_758 : memref<1x206x128xf32, #tpu.memory_space<hbm>> -> memref<206x128xf32, #tpu.memory_space<hbm>>
    tpu.enqueue_dma source(%arg5 : memref<206x128xf32, #tpu.memory_space<vmem>>) target(%dma_start3A_759 : memref<206x128xf32, #tpu.memory_space<hbm>>) target_semaphore(%arg6 : memref<!tpu.dma_semaphore, #tpu.memory_space<semaphore_mem>>)
    %add3A_760 = arith.constant 29 : i32
    %add3A_761 = arith.addi %mul3A_2, %add3A_760 : i32
    %dma_start3A_762 = arith.constant 0 : i32
    %dma_start3A_763 = arith.constant 0 : i32
    %dma_start3A_764 = tpu.memref_slice %arg3[%add3A_761, %dma_start3A_762, %dma_start3A_763] : memref<1024x206x128xf32, #tpu.memory_space<hbm>> -> memref<1x206x128xf32, #tpu.memory_space<hbm>>
    %dma_start3A_765 = tpu.memref_squeeze %dma_start3A_764 : memref<1x206x128xf32, #tpu.memory_space<hbm>> -> memref<206x128xf32, #tpu.memory_space<hbm>>
    %dma_start3A_766 = arith.constant 0 : i32
    %dma_start3A_767 = arith.constant 0 : i32
    %dma_start3A_768 = tpu.memref_slice %arg3[%add3A_761, %dma_start3A_766, %dma_start3A_767] : memref<1024x206x128xf32, #tpu.memory_space<hbm>> -> memref<1x206x128xf32, #tpu.memory_space<hbm>>
    %dma_start3A_769 = tpu.memref_squeeze %dma_start3A_768 : memref<1x206x128xf32, #tpu.memory_space<hbm>> -> memref<206x128xf32, #tpu.memory_space<hbm>>
    tpu.enqueue_dma source(%arg5 : memref<206x128xf32, #tpu.memory_space<vmem>>) target(%dma_start3A_769 : memref<206x128xf32, #tpu.memory_space<hbm>>) target_semaphore(%arg6 : memref<!tpu.dma_semaphore, #tpu.memory_space<semaphore_mem>>)
    %add3A_770 = arith.constant 30 : i32
    %add3A_771 = arith.addi %mul3A_2, %add3A_770 : i32
    %dma_start3A_772 = arith.constant 0 : i32
    %dma_start3A_773 = arith.constant 0 : i32
    %dma_start3A_774 = tpu.memref_slice %arg3[%add3A_771, %dma_start3A_772, %dma_start3A_773] : memref<1024x206x128xf32, #tpu.memory_space<hbm>> -> memref<1x206x128xf32, #tpu.memory_space<hbm>>
    %dma_start3A_775 = tpu.memref_squeeze %dma_start3A_774 : memref<1x206x128xf32, #tpu.memory_space<hbm>> -> memref<206x128xf32, #tpu.memory_space<hbm>>
    %dma_start3A_776 = arith.constant 0 : i32
    %dma_start3A_777 = arith.constant 0 : i32
    %dma_start3A_778 = tpu.memref_slice %arg3[%add3A_771, %dma_start3A_776, %dma_start3A_777] : memref<1024x206x128xf32, #tpu.memory_space<hbm>> -> memref<1x206x128xf32, #tpu.memory_space<hbm>>
    %dma_start3A_779 = tpu.memref_squeeze %dma_start3A_778 : memref<1x206x128xf32, #tpu.memory_space<hbm>> -> memref<206x128xf32, #tpu.memory_space<hbm>>
    tpu.enqueue_dma source(%arg5 : memref<206x128xf32, #tpu.memory_space<vmem>>) target(%dma_start3A_779 : memref<206x128xf32, #tpu.memory_space<hbm>>) target_semaphore(%arg6 : memref<!tpu.dma_semaphore, #tpu.memory_space<semaphore_mem>>)
    %add3A_780 = arith.constant 31 : i32
    %add3A_781 = arith.addi %mul3A_2, %add3A_780 : i32
    %dma_start3A_782 = arith.constant 0 : i32
    %dma_start3A_783 = arith.constant 0 : i32
    %dma_start3A_784 = tpu.memref_slice %arg3[%add3A_781, %dma_start3A_782, %dma_start3A_783] : memref<1024x206x128xf32, #tpu.memory_space<hbm>> -> memref<1x206x128xf32, #tpu.memory_space<hbm>>
    %dma_start3A_785 = tpu.memref_squeeze %dma_start3A_784 : memref<1x206x128xf32, #tpu.memory_space<hbm>> -> memref<206x128xf32, #tpu.memory_space<hbm>>
    %dma_start3A_786 = arith.constant 0 : i32
    %dma_start3A_787 = arith.constant 0 : i32
    %dma_start3A_788 = tpu.memref_slice %arg3[%add3A_781, %dma_start3A_786, %dma_start3A_787] : memref<1024x206x128xf32, #tpu.memory_space<hbm>> -> memref<1x206x128xf32, #tpu.memory_space<hbm>>
    %dma_start3A_789 = tpu.memref_squeeze %dma_start3A_788 : memref<1x206x128xf32, #tpu.memory_space<hbm>> -> memref<206x128xf32, #tpu.memory_space<hbm>>
    tpu.enqueue_dma source(%arg5 : memref<206x128xf32, #tpu.memory_space<vmem>>) target(%dma_start3A_789 : memref<206x128xf32, #tpu.memory_space<hbm>>) target_semaphore(%arg6 : memref<!tpu.dma_semaphore, #tpu.memory_space<semaphore_mem>>)
    %dma_wait3A_790 = arith.constant 0 : i32
    %dma_wait3A_791 = arith.constant 0 : i32
    %dma_wait3A_792 = tpu.memref_slice %arg3[%add3A_471, %dma_wait3A_790, %dma_wait3A_791] : memref<1024x206x128xf32, #tpu.memory_space<hbm>> -> memref<1x206x128xf32, #tpu.memory_space<hbm>>
    %dma_wait3A_793 = tpu.memref_squeeze %dma_wait3A_792 : memref<1x206x128xf32, #tpu.memory_space<hbm>> -> memref<206x128xf32, #tpu.memory_space<hbm>>
    %dma_wait3A_794 = arith.constant 0 : i32
    %dma_wait3A_795 = arith.constant 0 : i32
    %dma_wait3A_796 = tpu.memref_slice %arg3[%add3A_471, %dma_wait3A_794, %dma_wait3A_795] : memref<1024x206x128xf32, #tpu.memory_space<hbm>> -> memref<1x206x128xf32, #tpu.memory_space<hbm>>
    %dma_wait3A_797 = tpu.memref_squeeze %dma_wait3A_796 : memref<1x206x128xf32, #tpu.memory_space<hbm>> -> memref<206x128xf32, #tpu.memory_space<hbm>>
    tpu.wait_dma2 semaphore(%arg6 : memref<!tpu.dma_semaphore, #tpu.memory_space<semaphore_mem>>) src(%arg5 : memref<206x128xf32, #tpu.memory_space<vmem>>) dst(%dma_wait3A_797 : memref<206x128xf32, #tpu.memory_space<hbm>>)
    %dma_wait3A_798 = arith.constant 0 : i32
    %dma_wait3A_799 = arith.constant 0 : i32
    %dma_wait3A_800 = tpu.memref_slice %arg3[%add3A_481, %dma_wait3A_798, %dma_wait3A_799] : memref<1024x206x128xf32, #tpu.memory_space<hbm>> -> memref<1x206x128xf32, #tpu.memory_space<hbm>>
    %dma_wait3A_801 = tpu.memref_squeeze %dma_wait3A_800 : memref<1x206x128xf32, #tpu.memory_space<hbm>> -> memref<206x128xf32, #tpu.memory_space<hbm>>
    %dma_wait3A_802 = arith.constant 0 : i32
    %dma_wait3A_803 = arith.constant 0 : i32
    %dma_wait3A_804 = tpu.memref_slice %arg3[%add3A_481, %dma_wait3A_802, %dma_wait3A_803] : memref<1024x206x128xf32, #tpu.memory_space<hbm>> -> memref<1x206x128xf32, #tpu.memory_space<hbm>>
    %dma_wait3A_805 = tpu.memref_squeeze %dma_wait3A_804 : memref<1x206x128xf32, #tpu.memory_space<hbm>> -> memref<206x128xf32, #tpu.memory_space<hbm>>
    tpu.wait_dma2 semaphore(%arg6 : memref<!tpu.dma_semaphore, #tpu.memory_space<semaphore_mem>>) src(%arg5 : memref<206x128xf32, #tpu.memory_space<vmem>>) dst(%dma_wait3A_805 : memref<206x128xf32, #tpu.memory_space<hbm>>)
    %dma_wait3A_806 = arith.constant 0 : i32
    %dma_wait3A_807 = arith.constant 0 : i32
    %dma_wait3A_808 = tpu.memref_slice %arg3[%add3A_491, %dma_wait3A_806, %dma_wait3A_807] : memref<1024x206x128xf32, #tpu.memory_space<hbm>> -> memref<1x206x128xf32, #tpu.memory_space<hbm>>
    %dma_wait3A_809 = tpu.memref_squeeze %dma_wait3A_808 : memref<1x206x128xf32, #tpu.memory_space<hbm>> -> memref<206x128xf32, #tpu.memory_space<hbm>>
    %dma_wait3A_810 = arith.constant 0 : i32
    %dma_wait3A_811 = arith.constant 0 : i32
    %dma_wait3A_812 = tpu.memref_slice %arg3[%add3A_491, %dma_wait3A_810, %dma_wait3A_811] : memref<1024x206x128xf32, #tpu.memory_space<hbm>> -> memref<1x206x128xf32, #tpu.memory_space<hbm>>
    %dma_wait3A_813 = tpu.memref_squeeze %dma_wait3A_812 : memref<1x206x128xf32, #tpu.memory_space<hbm>> -> memref<206x128xf32, #tpu.memory_space<hbm>>
    tpu.wait_dma2 semaphore(%arg6 : memref<!tpu.dma_semaphore, #tpu.memory_space<semaphore_mem>>) src(%arg5 : memref<206x128xf32, #tpu.memory_space<vmem>>) dst(%dma_wait3A_813 : memref<206x128xf32, #tpu.memory_space<hbm>>)
    %dma_wait3A_814 = arith.constant 0 : i32
    %dma_wait3A_815 = arith.constant 0 : i32
    %dma_wait3A_816 = tpu.memref_slice %arg3[%add3A_501, %dma_wait3A_814, %dma_wait3A_815] : memref<1024x206x128xf32, #tpu.memory_space<hbm>> -> memref<1x206x128xf32, #tpu.memory_space<hbm>>
    %dma_wait3A_817 = tpu.memref_squeeze %dma_wait3A_816 : memref<1x206x128xf32, #tpu.memory_space<hbm>> -> memref<206x128xf32, #tpu.memory_space<hbm>>
    %dma_wait3A_818 = arith.constant 0 : i32
    %dma_wait3A_819 = arith.constant 0 : i32
    %dma_wait3A_820 = tpu.memref_slice %arg3[%add3A_501, %dma_wait3A_818, %dma_wait3A_819] : memref<1024x206x128xf32, #tpu.memory_space<hbm>> -> memref<1x206x128xf32, #tpu.memory_space<hbm>>
    %dma_wait3A_821 = tpu.memref_squeeze %dma_wait3A_820 : memref<1x206x128xf32, #tpu.memory_space<hbm>> -> memref<206x128xf32, #tpu.memory_space<hbm>>
    tpu.wait_dma2 semaphore(%arg6 : memref<!tpu.dma_semaphore, #tpu.memory_space<semaphore_mem>>) src(%arg5 : memref<206x128xf32, #tpu.memory_space<vmem>>) dst(%dma_wait3A_821 : memref<206x128xf32, #tpu.memory_space<hbm>>)
    %dma_wait3A_822 = arith.constant 0 : i32
    %dma_wait3A_823 = arith.constant 0 : i32
    %dma_wait3A_824 = tpu.memref_slice %arg3[%add3A_511, %dma_wait3A_822, %dma_wait3A_823] : memref<1024x206x128xf32, #tpu.memory_space<hbm>> -> memref<1x206x128xf32, #tpu.memory_space<hbm>>
    %dma_wait3A_825 = tpu.memref_squeeze %dma_wait3A_824 : memref<1x206x128xf32, #tpu.memory_space<hbm>> -> memref<206x128xf32, #tpu.memory_space<hbm>>
    %dma_wait3A_826 = arith.constant 0 : i32
    %dma_wait3A_827 = arith.constant 0 : i32
    %dma_wait3A_828 = tpu.memref_slice %arg3[%add3A_511, %dma_wait3A_826, %dma_wait3A_827] : memref<1024x206x128xf32, #tpu.memory_space<hbm>> -> memref<1x206x128xf32, #tpu.memory_space<hbm>>
    %dma_wait3A_829 = tpu.memref_squeeze %dma_wait3A_828 : memref<1x206x128xf32, #tpu.memory_space<hbm>> -> memref<206x128xf32, #tpu.memory_space<hbm>>
    tpu.wait_dma2 semaphore(%arg6 : memref<!tpu.dma_semaphore, #tpu.memory_space<semaphore_mem>>) src(%arg5 : memref<206x128xf32, #tpu.memory_space<vmem>>) dst(%dma_wait3A_829 : memref<206x128xf32, #tpu.memory_space<hbm>>)
    %dma_wait3A_830 = arith.constant 0 : i32
    %dma_wait3A_831 = arith.constant 0 : i32
    %dma_wait3A_832 = tpu.memref_slice %arg3[%add3A_521, %dma_wait3A_830, %dma_wait3A_831] : memref<1024x206x128xf32, #tpu.memory_space<hbm>> -> memref<1x206x128xf32, #tpu.memory_space<hbm>>
    %dma_wait3A_833 = tpu.memref_squeeze %dma_wait3A_832 : memref<1x206x128xf32, #tpu.memory_space<hbm>> -> memref<206x128xf32, #tpu.memory_space<hbm>>
    %dma_wait3A_834 = arith.constant 0 : i32
    %dma_wait3A_835 = arith.constant 0 : i32
    %dma_wait3A_836 = tpu.memref_slice %arg3[%add3A_521, %dma_wait3A_834, %dma_wait3A_835] : memref<1024x206x128xf32, #tpu.memory_space<hbm>> -> memref<1x206x128xf32, #tpu.memory_space<hbm>>
    %dma_wait3A_837 = tpu.memref_squeeze %dma_wait3A_836 : memref<1x206x128xf32, #tpu.memory_space<hbm>> -> memref<206x128xf32, #tpu.memory_space<hbm>>
    tpu.wait_dma2 semaphore(%arg6 : memref<!tpu.dma_semaphore, #tpu.memory_space<semaphore_mem>>) src(%arg5 : memref<206x128xf32, #tpu.memory_space<vmem>>) dst(%dma_wait3A_837 : memref<206x128xf32, #tpu.memory_space<hbm>>)
    %dma_wait3A_838 = arith.constant 0 : i32
    %dma_wait3A_839 = arith.constant 0 : i32
    %dma_wait3A_840 = tpu.memref_slice %arg3[%add3A_531, %dma_wait3A_838, %dma_wait3A_839] : memref<1024x206x128xf32, #tpu.memory_space<hbm>> -> memref<1x206x128xf32, #tpu.memory_space<hbm>>
    %dma_wait3A_841 = tpu.memref_squeeze %dma_wait3A_840 : memref<1x206x128xf32, #tpu.memory_space<hbm>> -> memref<206x128xf32, #tpu.memory_space<hbm>>
    %dma_wait3A_842 = arith.constant 0 : i32
    %dma_wait3A_843 = arith.constant 0 : i32
    %dma_wait3A_844 = tpu.memref_slice %arg3[%add3A_531, %dma_wait3A_842, %dma_wait3A_843] : memref<1024x206x128xf32, #tpu.memory_space<hbm>> -> memref<1x206x128xf32, #tpu.memory_space<hbm>>
    %dma_wait3A_845 = tpu.memref_squeeze %dma_wait3A_844 : memref<1x206x128xf32, #tpu.memory_space<hbm>> -> memref<206x128xf32, #tpu.memory_space<hbm>>
    tpu.wait_dma2 semaphore(%arg6 : memref<!tpu.dma_semaphore, #tpu.memory_space<semaphore_mem>>) src(%arg5 : memref<206x128xf32, #tpu.memory_space<vmem>>) dst(%dma_wait3A_845 : memref<206x128xf32, #tpu.memory_space<hbm>>)
    %dma_wait3A_846 = arith.constant 0 : i32
    %dma_wait3A_847 = arith.constant 0 : i32
    %dma_wait3A_848 = tpu.memref_slice %arg3[%add3A_541, %dma_wait3A_846, %dma_wait3A_847] : memref<1024x206x128xf32, #tpu.memory_space<hbm>> -> memref<1x206x128xf32, #tpu.memory_space<hbm>>
    %dma_wait3A_849 = tpu.memref_squeeze %dma_wait3A_848 : memref<1x206x128xf32, #tpu.memory_space<hbm>> -> memref<206x128xf32, #tpu.memory_space<hbm>>
    %dma_wait3A_850 = arith.constant 0 : i32
    %dma_wait3A_851 = arith.constant 0 : i32
    %dma_wait3A_852 = tpu.memref_slice %arg3[%add3A_541, %dma_wait3A_850, %dma_wait3A_851] : memref<1024x206x128xf32, #tpu.memory_space<hbm>> -> memref<1x206x128xf32, #tpu.memory_space<hbm>>
    %dma_wait3A_853 = tpu.memref_squeeze %dma_wait3A_852 : memref<1x206x128xf32, #tpu.memory_space<hbm>> -> memref<206x128xf32, #tpu.memory_space<hbm>>
    tpu.wait_dma2 semaphore(%arg6 : memref<!tpu.dma_semaphore, #tpu.memory_space<semaphore_mem>>) src(%arg5 : memref<206x128xf32, #tpu.memory_space<vmem>>) dst(%dma_wait3A_853 : memref<206x128xf32, #tpu.memory_space<hbm>>)
    %dma_wait3A_854 = arith.constant 0 : i32
    %dma_wait3A_855 = arith.constant 0 : i32
    %dma_wait3A_856 = tpu.memref_slice %arg3[%add3A_551, %dma_wait3A_854, %dma_wait3A_855] : memref<1024x206x128xf32, #tpu.memory_space<hbm>> -> memref<1x206x128xf32, #tpu.memory_space<hbm>>
    %dma_wait3A_857 = tpu.memref_squeeze %dma_wait3A_856 : memref<1x206x128xf32, #tpu.memory_space<hbm>> -> memref<206x128xf32, #tpu.memory_space<hbm>>
    %dma_wait3A_858 = arith.constant 0 : i32
    %dma_wait3A_859 = arith.constant 0 : i32
    %dma_wait3A_860 = tpu.memref_slice %arg3[%add3A_551, %dma_wait3A_858, %dma_wait3A_859] : memref<1024x206x128xf32, #tpu.memory_space<hbm>> -> memref<1x206x128xf32, #tpu.memory_space<hbm>>
    %dma_wait3A_861 = tpu.memref_squeeze %dma_wait3A_860 : memref<1x206x128xf32, #tpu.memory_space<hbm>> -> memref<206x128xf32, #tpu.memory_space<hbm>>
    tpu.wait_dma2 semaphore(%arg6 : memref<!tpu.dma_semaphore, #tpu.memory_space<semaphore_mem>>) src(%arg5 : memref<206x128xf32, #tpu.memory_space<vmem>>) dst(%dma_wait3A_861 : memref<206x128xf32, #tpu.memory_space<hbm>>)
    %dma_wait3A_862 = arith.constant 0 : i32
    %dma_wait3A_863 = arith.constant 0 : i32
    %dma_wait3A_864 = tpu.memref_slice %arg3[%add3A_561, %dma_wait3A_862, %dma_wait3A_863] : memref<1024x206x128xf32, #tpu.memory_space<hbm>> -> memref<1x206x128xf32, #tpu.memory_space<hbm>>
    %dma_wait3A_865 = tpu.memref_squeeze %dma_wait3A_864 : memref<1x206x128xf32, #tpu.memory_space<hbm>> -> memref<206x128xf32, #tpu.memory_space<hbm>>
    %dma_wait3A_866 = arith.constant 0 : i32
    %dma_wait3A_867 = arith.constant 0 : i32
    %dma_wait3A_868 = tpu.memref_slice %arg3[%add3A_561, %dma_wait3A_866, %dma_wait3A_867] : memref<1024x206x128xf32, #tpu.memory_space<hbm>> -> memref<1x206x128xf32, #tpu.memory_space<hbm>>
    %dma_wait3A_869 = tpu.memref_squeeze %dma_wait3A_868 : memref<1x206x128xf32, #tpu.memory_space<hbm>> -> memref<206x128xf32, #tpu.memory_space<hbm>>
    tpu.wait_dma2 semaphore(%arg6 : memref<!tpu.dma_semaphore, #tpu.memory_space<semaphore_mem>>) src(%arg5 : memref<206x128xf32, #tpu.memory_space<vmem>>) dst(%dma_wait3A_869 : memref<206x128xf32, #tpu.memory_space<hbm>>)
    %dma_wait3A_870 = arith.constant 0 : i32
    %dma_wait3A_871 = arith.constant 0 : i32
    %dma_wait3A_872 = tpu.memref_slice %arg3[%add3A_571, %dma_wait3A_870, %dma_wait3A_871] : memref<1024x206x128xf32, #tpu.memory_space<hbm>> -> memref<1x206x128xf32, #tpu.memory_space<hbm>>
    %dma_wait3A_873 = tpu.memref_squeeze %dma_wait3A_872 : memref<1x206x128xf32, #tpu.memory_space<hbm>> -> memref<206x128xf32, #tpu.memory_space<hbm>>
    %dma_wait3A_874 = arith.constant 0 : i32
    %dma_wait3A_875 = arith.constant 0 : i32
    %dma_wait3A_876 = tpu.memref_slice %arg3[%add3A_571, %dma_wait3A_874, %dma_wait3A_875] : memref<1024x206x128xf32, #tpu.memory_space<hbm>> -> memref<1x206x128xf32, #tpu.memory_space<hbm>>
    %dma_wait3A_877 = tpu.memref_squeeze %dma_wait3A_876 : memref<1x206x128xf32, #tpu.memory_space<hbm>> -> memref<206x128xf32, #tpu.memory_space<hbm>>
    tpu.wait_dma2 semaphore(%arg6 : memref<!tpu.dma_semaphore, #tpu.memory_space<semaphore_mem>>) src(%arg5 : memref<206x128xf32, #tpu.memory_space<vmem>>) dst(%dma_wait3A_877 : memref<206x128xf32, #tpu.memory_space<hbm>>)
    %dma_wait3A_878 = arith.constant 0 : i32
    %dma_wait3A_879 = arith.constant 0 : i32
    %dma_wait3A_880 = tpu.memref_slice %arg3[%add3A_581, %dma_wait3A_878, %dma_wait3A_879] : memref<1024x206x128xf32, #tpu.memory_space<hbm>> -> memref<1x206x128xf32, #tpu.memory_space<hbm>>
    %dma_wait3A_881 = tpu.memref_squeeze %dma_wait3A_880 : memref<1x206x128xf32, #tpu.memory_space<hbm>> -> memref<206x128xf32, #tpu.memory_space<hbm>>
    %dma_wait3A_882 = arith.constant 0 : i32
    %dma_wait3A_883 = arith.constant 0 : i32
    %dma_wait3A_884 = tpu.memref_slice %arg3[%add3A_581, %dma_wait3A_882, %dma_wait3A_883] : memref<1024x206x128xf32, #tpu.memory_space<hbm>> -> memref<1x206x128xf32, #tpu.memory_space<hbm>>
    %dma_wait3A_885 = tpu.memref_squeeze %dma_wait3A_884 : memref<1x206x128xf32, #tpu.memory_space<hbm>> -> memref<206x128xf32, #tpu.memory_space<hbm>>
    tpu.wait_dma2 semaphore(%arg6 : memref<!tpu.dma_semaphore, #tpu.memory_space<semaphore_mem>>) src(%arg5 : memref<206x128xf32, #tpu.memory_space<vmem>>) dst(%dma_wait3A_885 : memref<206x128xf32, #tpu.memory_space<hbm>>)
    %dma_wait3A_886 = arith.constant 0 : i32
    %dma_wait3A_887 = arith.constant 0 : i32
    %dma_wait3A_888 = tpu.memref_slice %arg3[%add3A_591, %dma_wait3A_886, %dma_wait3A_887] : memref<1024x206x128xf32, #tpu.memory_space<hbm>> -> memref<1x206x128xf32, #tpu.memory_space<hbm>>
    %dma_wait3A_889 = tpu.memref_squeeze %dma_wait3A_888 : memref<1x206x128xf32, #tpu.memory_space<hbm>> -> memref<206x128xf32, #tpu.memory_space<hbm>>
    %dma_wait3A_890 = arith.constant 0 : i32
    %dma_wait3A_891 = arith.constant 0 : i32
    %dma_wait3A_892 = tpu.memref_slice %arg3[%add3A_591, %dma_wait3A_890, %dma_wait3A_891] : memref<1024x206x128xf32, #tpu.memory_space<hbm>> -> memref<1x206x128xf32, #tpu.memory_space<hbm>>
    %dma_wait3A_893 = tpu.memref_squeeze %dma_wait3A_892 : memref<1x206x128xf32, #tpu.memory_space<hbm>> -> memref<206x128xf32, #tpu.memory_space<hbm>>
    tpu.wait_dma2 semaphore(%arg6 : memref<!tpu.dma_semaphore, #tpu.memory_space<semaphore_mem>>) src(%arg5 : memref<206x128xf32, #tpu.memory_space<vmem>>) dst(%dma_wait3A_893 : memref<206x128xf32, #tpu.memory_space<hbm>>)
    %dma_wait3A_894 = arith.constant 0 : i32
    %dma_wait3A_895 = arith.constant 0 : i32
    %dma_wait3A_896 = tpu.memref_slice %arg3[%add3A_601, %dma_wait3A_894, %dma_wait3A_895] : memref<1024x206x128xf32, #tpu.memory_space<hbm>> -> memref<1x206x128xf32, #tpu.memory_space<hbm>>
    %dma_wait3A_897 = tpu.memref_squeeze %dma_wait3A_896 : memref<1x206x128xf32, #tpu.memory_space<hbm>> -> memref<206x128xf32, #tpu.memory_space<hbm>>
    %dma_wait3A_898 = arith.constant 0 : i32
    %dma_wait3A_899 = arith.constant 0 : i32
    %dma_wait3A_900 = tpu.memref_slice %arg3[%add3A_601, %dma_wait3A_898, %dma_wait3A_899] : memref<1024x206x128xf32, #tpu.memory_space<hbm>> -> memref<1x206x128xf32, #tpu.memory_space<hbm>>
    %dma_wait3A_901 = tpu.memref_squeeze %dma_wait3A_900 : memref<1x206x128xf32, #tpu.memory_space<hbm>> -> memref<206x128xf32, #tpu.memory_space<hbm>>
    tpu.wait_dma2 semaphore(%arg6 : memref<!tpu.dma_semaphore, #tpu.memory_space<semaphore_mem>>) src(%arg5 : memref<206x128xf32, #tpu.memory_space<vmem>>) dst(%dma_wait3A_901 : memref<206x128xf32, #tpu.memory_space<hbm>>)
    %dma_wait3A_902 = arith.constant 0 : i32
    %dma_wait3A_903 = arith.constant 0 : i32
    %dma_wait3A_904 = tpu.memref_slice %arg3[%add3A_611, %dma_wait3A_902, %dma_wait3A_903] : memref<1024x206x128xf32, #tpu.memory_space<hbm>> -> memref<1x206x128xf32, #tpu.memory_space<hbm>>
    %dma_wait3A_905 = tpu.memref_squeeze %dma_wait3A_904 : memref<1x206x128xf32, #tpu.memory_space<hbm>> -> memref<206x128xf32, #tpu.memory_space<hbm>>
    %dma_wait3A_906 = arith.constant 0 : i32
    %dma_wait3A_907 = arith.constant 0 : i32
    %dma_wait3A_908 = tpu.memref_slice %arg3[%add3A_611, %dma_wait3A_906, %dma_wait3A_907] : memref<1024x206x128xf32, #tpu.memory_space<hbm>> -> memref<1x206x128xf32, #tpu.memory_space<hbm>>
    %dma_wait3A_909 = tpu.memref_squeeze %dma_wait3A_908 : memref<1x206x128xf32, #tpu.memory_space<hbm>> -> memref<206x128xf32, #tpu.memory_space<hbm>>
    tpu.wait_dma2 semaphore(%arg6 : memref<!tpu.dma_semaphore, #tpu.memory_space<semaphore_mem>>) src(%arg5 : memref<206x128xf32, #tpu.memory_space<vmem>>) dst(%dma_wait3A_909 : memref<206x128xf32, #tpu.memory_space<hbm>>)
    %dma_wait3A_910 = arith.constant 0 : i32
    %dma_wait3A_911 = arith.constant 0 : i32
    %dma_wait3A_912 = tpu.memref_slice %arg3[%add3A_621, %dma_wait3A_910, %dma_wait3A_911] : memref<1024x206x128xf32, #tpu.memory_space<hbm>> -> memref<1x206x128xf32, #tpu.memory_space<hbm>>
    %dma_wait3A_913 = tpu.memref_squeeze %dma_wait3A_912 : memref<1x206x128xf32, #tpu.memory_space<hbm>> -> memref<206x128xf32, #tpu.memory_space<hbm>>
    %dma_wait3A_914 = arith.constant 0 : i32
    %dma_wait3A_915 = arith.constant 0 : i32
    %dma_wait3A_916 = tpu.memref_slice %arg3[%add3A_621, %dma_wait3A_914, %dma_wait3A_915] : memref<1024x206x128xf32, #tpu.memory_space<hbm>> -> memref<1x206x128xf32, #tpu.memory_space<hbm>>
    %dma_wait3A_917 = tpu.memref_squeeze %dma_wait3A_916 : memref<1x206x128xf32, #tpu.memory_space<hbm>> -> memref<206x128xf32, #tpu.memory_space<hbm>>
    tpu.wait_dma2 semaphore(%arg6 : memref<!tpu.dma_semaphore, #tpu.memory_space<semaphore_mem>>) src(%arg5 : memref<206x128xf32, #tpu.memory_space<vmem>>) dst(%dma_wait3A_917 : memref<206x128xf32, #tpu.memory_space<hbm>>)
    %dma_wait3A_918 = arith.constant 0 : i32
    %dma_wait3A_919 = arith.constant 0 : i32
    %dma_wait3A_920 = tpu.memref_slice %arg3[%add3A_631, %dma_wait3A_918, %dma_wait3A_919] : memref<1024x206x128xf32, #tpu.memory_space<hbm>> -> memref<1x206x128xf32, #tpu.memory_space<hbm>>
    %dma_wait3A_921 = tpu.memref_squeeze %dma_wait3A_920 : memref<1x206x128xf32, #tpu.memory_space<hbm>> -> memref<206x128xf32, #tpu.memory_space<hbm>>
    %dma_wait3A_922 = arith.constant 0 : i32
    %dma_wait3A_923 = arith.constant 0 : i32
    %dma_wait3A_924 = tpu.memref_slice %arg3[%add3A_631, %dma_wait3A_922, %dma_wait3A_923] : memref<1024x206x128xf32, #tpu.memory_space<hbm>> -> memref<1x206x128xf32, #tpu.memory_space<hbm>>
    %dma_wait3A_925 = tpu.memref_squeeze %dma_wait3A_924 : memref<1x206x128xf32, #tpu.memory_space<hbm>> -> memref<206x128xf32, #tpu.memory_space<hbm>>
    tpu.wait_dma2 semaphore(%arg6 : memref<!tpu.dma_semaphore, #tpu.memory_space<semaphore_mem>>) src(%arg5 : memref<206x128xf32, #tpu.memory_space<vmem>>) dst(%dma_wait3A_925 : memref<206x128xf32, #tpu.memory_space<hbm>>)
    %dma_wait3A_926 = arith.constant 0 : i32
    %dma_wait3A_927 = arith.constant 0 : i32
    %dma_wait3A_928 = tpu.memref_slice %arg3[%add3A_641, %dma_wait3A_926, %dma_wait3A_927] : memref<1024x206x128xf32, #tpu.memory_space<hbm>> -> memref<1x206x128xf32, #tpu.memory_space<hbm>>
    %dma_wait3A_929 = tpu.memref_squeeze %dma_wait3A_928 : memref<1x206x128xf32, #tpu.memory_space<hbm>> -> memref<206x128xf32, #tpu.memory_space<hbm>>
    %dma_wait3A_930 = arith.constant 0 : i32
    %dma_wait3A_931 = arith.constant 0 : i32
    %dma_wait3A_932 = tpu.memref_slice %arg3[%add3A_641, %dma_wait3A_930, %dma_wait3A_931] : memref<1024x206x128xf32, #tpu.memory_space<hbm>> -> memref<1x206x128xf32, #tpu.memory_space<hbm>>
    %dma_wait3A_933 = tpu.memref_squeeze %dma_wait3A_932 : memref<1x206x128xf32, #tpu.memory_space<hbm>> -> memref<206x128xf32, #tpu.memory_space<hbm>>
    tpu.wait_dma2 semaphore(%arg6 : memref<!tpu.dma_semaphore, #tpu.memory_space<semaphore_mem>>) src(%arg5 : memref<206x128xf32, #tpu.memory_space<vmem>>) dst(%dma_wait3A_933 : memref<206x128xf32, #tpu.memory_space<hbm>>)
    %dma_wait3A_934 = arith.constant 0 : i32
    %dma_wait3A_935 = arith.constant 0 : i32
    %dma_wait3A_936 = tpu.memref_slice %arg3[%add3A_651, %dma_wait3A_934, %dma_wait3A_935] : memref<1024x206x128xf32, #tpu.memory_space<hbm>> -> memref<1x206x128xf32, #tpu.memory_space<hbm>>
    %dma_wait3A_937 = tpu.memref_squeeze %dma_wait3A_936 : memref<1x206x128xf32, #tpu.memory_space<hbm>> -> memref<206x128xf32, #tpu.memory_space<hbm>>
    %dma_wait3A_938 = arith.constant 0 : i32
    %dma_wait3A_939 = arith.constant 0 : i32
    %dma_wait3A_940 = tpu.memref_slice %arg3[%add3A_651, %dma_wait3A_938, %dma_wait3A_939] : memref<1024x206x128xf32, #tpu.memory_space<hbm>> -> memref<1x206x128xf32, #tpu.memory_space<hbm>>
    %dma_wait3A_941 = tpu.memref_squeeze %dma_wait3A_940 : memref<1x206x128xf32, #tpu.memory_space<hbm>> -> memref<206x128xf32, #tpu.memory_space<hbm>>
    tpu.wait_dma2 semaphore(%arg6 : memref<!tpu.dma_semaphore, #tpu.memory_space<semaphore_mem>>) src(%arg5 : memref<206x128xf32, #tpu.memory_space<vmem>>) dst(%dma_wait3A_941 : memref<206x128xf32, #tpu.memory_space<hbm>>)
    %dma_wait3A_942 = arith.constant 0 : i32
    %dma_wait3A_943 = arith.constant 0 : i32
    %dma_wait3A_944 = tpu.memref_slice %arg3[%add3A_661, %dma_wait3A_942, %dma_wait3A_943] : memref<1024x206x128xf32, #tpu.memory_space<hbm>> -> memref<1x206x128xf32, #tpu.memory_space<hbm>>
    %dma_wait3A_945 = tpu.memref_squeeze %dma_wait3A_944 : memref<1x206x128xf32, #tpu.memory_space<hbm>> -> memref<206x128xf32, #tpu.memory_space<hbm>>
    %dma_wait3A_946 = arith.constant 0 : i32
    %dma_wait3A_947 = arith.constant 0 : i32
    %dma_wait3A_948 = tpu.memref_slice %arg3[%add3A_661, %dma_wait3A_946, %dma_wait3A_947] : memref<1024x206x128xf32, #tpu.memory_space<hbm>> -> memref<1x206x128xf32, #tpu.memory_space<hbm>>
    %dma_wait3A_949 = tpu.memref_squeeze %dma_wait3A_948 : memref<1x206x128xf32, #tpu.memory_space<hbm>> -> memref<206x128xf32, #tpu.memory_space<hbm>>
    tpu.wait_dma2 semaphore(%arg6 : memref<!tpu.dma_semaphore, #tpu.memory_space<semaphore_mem>>) src(%arg5 : memref<206x128xf32, #tpu.memory_space<vmem>>) dst(%dma_wait3A_949 : memref<206x128xf32, #tpu.memory_space<hbm>>)
    %dma_wait3A_950 = arith.constant 0 : i32
    %dma_wait3A_951 = arith.constant 0 : i32
    %dma_wait3A_952 = tpu.memref_slice %arg3[%add3A_671, %dma_wait3A_950, %dma_wait3A_951] : memref<1024x206x128xf32, #tpu.memory_space<hbm>> -> memref<1x206x128xf32, #tpu.memory_space<hbm>>
    %dma_wait3A_953 = tpu.memref_squeeze %dma_wait3A_952 : memref<1x206x128xf32, #tpu.memory_space<hbm>> -> memref<206x128xf32, #tpu.memory_space<hbm>>
    %dma_wait3A_954 = arith.constant 0 : i32
    %dma_wait3A_955 = arith.constant 0 : i32
    %dma_wait3A_956 = tpu.memref_slice %arg3[%add3A_671, %dma_wait3A_954, %dma_wait3A_955] : memref<1024x206x128xf32, #tpu.memory_space<hbm>> -> memref<1x206x128xf32, #tpu.memory_space<hbm>>
    %dma_wait3A_957 = tpu.memref_squeeze %dma_wait3A_956 : memref<1x206x128xf32, #tpu.memory_space<hbm>> -> memref<206x128xf32, #tpu.memory_space<hbm>>
    tpu.wait_dma2 semaphore(%arg6 : memref<!tpu.dma_semaphore, #tpu.memory_space<semaphore_mem>>) src(%arg5 : memref<206x128xf32, #tpu.memory_space<vmem>>) dst(%dma_wait3A_957 : memref<206x128xf32, #tpu.memory_space<hbm>>)
    %dma_wait3A_958 = arith.constant 0 : i32
    %dma_wait3A_959 = arith.constant 0 : i32
    %dma_wait3A_960 = tpu.memref_slice %arg3[%add3A_681, %dma_wait3A_958, %dma_wait3A_959] : memref<1024x206x128xf32, #tpu.memory_space<hbm>> -> memref<1x206x128xf32, #tpu.memory_space<hbm>>
    %dma_wait3A_961 = tpu.memref_squeeze %dma_wait3A_960 : memref<1x206x128xf32, #tpu.memory_space<hbm>> -> memref<206x128xf32, #tpu.memory_space<hbm>>
    %dma_wait3A_962 = arith.constant 0 : i32
    %dma_wait3A_963 = arith.constant 0 : i32
    %dma_wait3A_964 = tpu.memref_slice %arg3[%add3A_681, %dma_wait3A_962, %dma_wait3A_963] : memref<1024x206x128xf32, #tpu.memory_space<hbm>> -> memref<1x206x128xf32, #tpu.memory_space<hbm>>
    %dma_wait3A_965 = tpu.memref_squeeze %dma_wait3A_964 : memref<1x206x128xf32, #tpu.memory_space<hbm>> -> memref<206x128xf32, #tpu.memory_space<hbm>>
    tpu.wait_dma2 semaphore(%arg6 : memref<!tpu.dma_semaphore, #tpu.memory_space<semaphore_mem>>) src(%arg5 : memref<206x128xf32, #tpu.memory_space<vmem>>) dst(%dma_wait3A_965 : memref<206x128xf32, #tpu.memory_space<hbm>>)
    %dma_wait3A_966 = arith.constant 0 : i32
    %dma_wait3A_967 = arith.constant 0 : i32
    %dma_wait3A_968 = tpu.memref_slice %arg3[%add3A_691, %dma_wait3A_966, %dma_wait3A_967] : memref<1024x206x128xf32, #tpu.memory_space<hbm>> -> memref<1x206x128xf32, #tpu.memory_space<hbm>>
    %dma_wait3A_969 = tpu.memref_squeeze %dma_wait3A_968 : memref<1x206x128xf32, #tpu.memory_space<hbm>> -> memref<206x128xf32, #tpu.memory_space<hbm>>
    %dma_wait3A_970 = arith.constant 0 : i32
    %dma_wait3A_971 = arith.constant 0 : i32
    %dma_wait3A_972 = tpu.memref_slice %arg3[%add3A_691, %dma_wait3A_970, %dma_wait3A_971] : memref<1024x206x128xf32, #tpu.memory_space<hbm>> -> memref<1x206x128xf32, #tpu.memory_space<hbm>>
    %dma_wait3A_973 = tpu.memref_squeeze %dma_wait3A_972 : memref<1x206x128xf32, #tpu.memory_space<hbm>> -> memref<206x128xf32, #tpu.memory_space<hbm>>
    tpu.wait_dma2 semaphore(%arg6 : memref<!tpu.dma_semaphore, #tpu.memory_space<semaphore_mem>>) src(%arg5 : memref<206x128xf32, #tpu.memory_space<vmem>>) dst(%dma_wait3A_973 : memref<206x128xf32, #tpu.memory_space<hbm>>)
    %dma_wait3A_974 = arith.constant 0 : i32
    %dma_wait3A_975 = arith.constant 0 : i32
    %dma_wait3A_976 = tpu.memref_slice %arg3[%add3A_701, %dma_wait3A_974, %dma_wait3A_975] : memref<1024x206x128xf32, #tpu.memory_space<hbm>> -> memref<1x206x128xf32, #tpu.memory_space<hbm>>
    %dma_wait3A_977 = tpu.memref_squeeze %dma_wait3A_976 : memref<1x206x128xf32, #tpu.memory_space<hbm>> -> memref<206x128xf32, #tpu.memory_space<hbm>>
    %dma_wait3A_978 = arith.constant 0 : i32
    %dma_wait3A_979 = arith.constant 0 : i32
    %dma_wait3A_980 = tpu.memref_slice %arg3[%add3A_701, %dma_wait3A_978, %dma_wait3A_979] : memref<1024x206x128xf32, #tpu.memory_space<hbm>> -> memref<1x206x128xf32, #tpu.memory_space<hbm>>
    %dma_wait3A_981 = tpu.memref_squeeze %dma_wait3A_980 : memref<1x206x128xf32, #tpu.memory_space<hbm>> -> memref<206x128xf32, #tpu.memory_space<hbm>>
    tpu.wait_dma2 semaphore(%arg6 : memref<!tpu.dma_semaphore, #tpu.memory_space<semaphore_mem>>) src(%arg5 : memref<206x128xf32, #tpu.memory_space<vmem>>) dst(%dma_wait3A_981 : memref<206x128xf32, #tpu.memory_space<hbm>>)
    %dma_wait3A_982 = arith.constant 0 : i32
    %dma_wait3A_983 = arith.constant 0 : i32
    %dma_wait3A_984 = tpu.memref_slice %arg3[%add3A_711, %dma_wait3A_982, %dma_wait3A_983] : memref<1024x206x128xf32, #tpu.memory_space<hbm>> -> memref<1x206x128xf32, #tpu.memory_space<hbm>>
    %dma_wait3A_985 = tpu.memref_squeeze %dma_wait3A_984 : memref<1x206x128xf32, #tpu.memory_space<hbm>> -> memref<206x128xf32, #tpu.memory_space<hbm>>
    %dma_wait3A_986 = arith.constant 0 : i32
    %dma_wait3A_987 = arith.constant 0 : i32
    %dma_wait3A_988 = tpu.memref_slice %arg3[%add3A_711, %dma_wait3A_986, %dma_wait3A_987] : memref<1024x206x128xf32, #tpu.memory_space<hbm>> -> memref<1x206x128xf32, #tpu.memory_space<hbm>>
    %dma_wait3A_989 = tpu.memref_squeeze %dma_wait3A_988 : memref<1x206x128xf32, #tpu.memory_space<hbm>> -> memref<206x128xf32, #tpu.memory_space<hbm>>
    tpu.wait_dma2 semaphore(%arg6 : memref<!tpu.dma_semaphore, #tpu.memory_space<semaphore_mem>>) src(%arg5 : memref<206x128xf32, #tpu.memory_space<vmem>>) dst(%dma_wait3A_989 : memref<206x128xf32, #tpu.memory_space<hbm>>)
    %dma_wait3A_990 = arith.constant 0 : i32
    %dma_wait3A_991 = arith.constant 0 : i32
    %dma_wait3A_992 = tpu.memref_slice %arg3[%add3A_721, %dma_wait3A_990, %dma_wait3A_991] : memref<1024x206x128xf32, #tpu.memory_space<hbm>> -> memref<1x206x128xf32, #tpu.memory_space<hbm>>
    %dma_wait3A_993 = tpu.memref_squeeze %dma_wait3A_992 : memref<1x206x128xf32, #tpu.memory_space<hbm>> -> memref<206x128xf32, #tpu.memory_space<hbm>>
    %dma_wait3A_994 = arith.constant 0 : i32
    %dma_wait3A_995 = arith.constant 0 : i32
    %dma_wait3A_996 = tpu.memref_slice %arg3[%add3A_721, %dma_wait3A_994, %dma_wait3A_995] : memref<1024x206x128xf32, #tpu.memory_space<hbm>> -> memref<1x206x128xf32, #tpu.memory_space<hbm>>
    %dma_wait3A_997 = tpu.memref_squeeze %dma_wait3A_996 : memref<1x206x128xf32, #tpu.memory_space<hbm>> -> memref<206x128xf32, #tpu.memory_space<hbm>>
    tpu.wait_dma2 semaphore(%arg6 : memref<!tpu.dma_semaphore, #tpu.memory_space<semaphore_mem>>) src(%arg5 : memref<206x128xf32, #tpu.memory_space<vmem>>) dst(%dma_wait3A_997 : memref<206x128xf32, #tpu.memory_space<hbm>>)
    %dma_wait3A_998 = arith.constant 0 : i32
    %dma_wait3A_999 = arith.constant 0 : i32
    %dma_wait3A_1000 = tpu.memref_slice %arg3[%add3A_731, %dma_wait3A_998, %dma_wait3A_999] : memref<1024x206x128xf32, #tpu.memory_space<hbm>> -> memref<1x206x128xf32, #tpu.memory_space<hbm>>
    %dma_wait3A_1001 = tpu.memref_squeeze %dma_wait3A_1000 : memref<1x206x128xf32, #tpu.memory_space<hbm>> -> memref<206x128xf32, #tpu.memory_space<hbm>>
    %dma_wait3A_1002 = arith.constant 0 : i32
    %dma_wait3A_1003 = arith.constant 0 : i32
    %dma_wait3A_1004 = tpu.memref_slice %arg3[%add3A_731, %dma_wait3A_1002, %dma_wait3A_1003] : memref<1024x206x128xf32, #tpu.memory_space<hbm>> -> memref<1x206x128xf32, #tpu.memory_space<hbm>>
    %dma_wait3A_1005 = tpu.memref_squeeze %dma_wait3A_1004 : memref<1x206x128xf32, #tpu.memory_space<hbm>> -> memref<206x128xf32, #tpu.memory_space<hbm>>
    tpu.wait_dma2 semaphore(%arg6 : memref<!tpu.dma_semaphore, #tpu.memory_space<semaphore_mem>>) src(%arg5 : memref<206x128xf32, #tpu.memory_space<vmem>>) dst(%dma_wait3A_1005 : memref<206x128xf32, #tpu.memory_space<hbm>>)
    %dma_wait3A_1006 = arith.constant 0 : i32
    %dma_wait3A_1007 = arith.constant 0 : i32
    %dma_wait3A_1008 = tpu.memref_slice %arg3[%add3A_741, %dma_wait3A_1006, %dma_wait3A_1007] : memref<1024x206x128xf32, #tpu.memory_space<hbm>> -> memref<1x206x128xf32, #tpu.memory_space<hbm>>
    %dma_wait3A_1009 = tpu.memref_squeeze %dma_wait3A_1008 : memref<1x206x128xf32, #tpu.memory_space<hbm>> -> memref<206x128xf32, #tpu.memory_space<hbm>>
    %dma_wait3A_1010 = arith.constant 0 : i32
    %dma_wait3A_1011 = arith.constant 0 : i32
    %dma_wait3A_1012 = tpu.memref_slice %arg3[%add3A_741, %dma_wait3A_1010, %dma_wait3A_1011] : memref<1024x206x128xf32, #tpu.memory_space<hbm>> -> memref<1x206x128xf32, #tpu.memory_space<hbm>>
    %dma_wait3A_1013 = tpu.memref_squeeze %dma_wait3A_1012 : memref<1x206x128xf32, #tpu.memory_space<hbm>> -> memref<206x128xf32, #tpu.memory_space<hbm>>
    tpu.wait_dma2 semaphore(%arg6 : memref<!tpu.dma_semaphore, #tpu.memory_space<semaphore_mem>>) src(%arg5 : memref<206x128xf32, #tpu.memory_space<vmem>>) dst(%dma_wait3A_1013 : memref<206x128xf32, #tpu.memory_space<hbm>>)
    %dma_wait3A_1014 = arith.constant 0 : i32
    %dma_wait3A_1015 = arith.constant 0 : i32
    %dma_wait3A_1016 = tpu.memref_slice %arg3[%add3A_751, %dma_wait3A_1014, %dma_wait3A_1015] : memref<1024x206x128xf32, #tpu.memory_space<hbm>> -> memref<1x206x128xf32, #tpu.memory_space<hbm>>
    %dma_wait3A_1017 = tpu.memref_squeeze %dma_wait3A_1016 : memref<1x206x128xf32, #tpu.memory_space<hbm>> -> memref<206x128xf32, #tpu.memory_space<hbm>>
    %dma_wait3A_1018 = arith.constant 0 : i32
    %dma_wait3A_1019 = arith.constant 0 : i32
    %dma_wait3A_1020 = tpu.memref_slice %arg3[%add3A_751, %dma_wait3A_1018, %dma_wait3A_1019] : memref<1024x206x128xf32, #tpu.memory_space<hbm>> -> memref<1x206x128xf32, #tpu.memory_space<hbm>>
    %dma_wait3A_1021 = tpu.memref_squeeze %dma_wait3A_1020 : memref<1x206x128xf32, #tpu.memory_space<hbm>> -> memref<206x128xf32, #tpu.memory_space<hbm>>
    tpu.wait_dma2 semaphore(%arg6 : memref<!tpu.dma_semaphore, #tpu.memory_space<semaphore_mem>>) src(%arg5 : memref<206x128xf32, #tpu.memory_space<vmem>>) dst(%dma_wait3A_1021 : memref<206x128xf32, #tpu.memory_space<hbm>>)
    %dma_wait3A_1022 = arith.constant 0 : i32
    %dma_wait3A_1023 = arith.constant 0 : i32
    %dma_wait3A_1024 = tpu.memref_slice %arg3[%add3A_761, %dma_wait3A_1022, %dma_wait3A_1023] : memref<1024x206x128xf32, #tpu.memory_space<hbm>> -> memref<1x206x128xf32, #tpu.memory_space<hbm>>
    %dma_wait3A_1025 = tpu.memref_squeeze %dma_wait3A_1024 : memref<1x206x128xf32, #tpu.memory_space<hbm>> -> memref<206x128xf32, #tpu.memory_space<hbm>>
    %dma_wait3A_1026 = arith.constant 0 : i32
    %dma_wait3A_1027 = arith.constant 0 : i32
    %dma_wait3A_1028 = tpu.memref_slice %arg3[%add3A_761, %dma_wait3A_1026, %dma_wait3A_1027] : memref<1024x206x128xf32, #tpu.memory_space<hbm>> -> memref<1x206x128xf32, #tpu.memory_space<hbm>>
    %dma_wait3A_1029 = tpu.memref_squeeze %dma_wait3A_1028 : memref<1x206x128xf32, #tpu.memory_space<hbm>> -> memref<206x128xf32, #tpu.memory_space<hbm>>
    tpu.wait_dma2 semaphore(%arg6 : memref<!tpu.dma_semaphore, #tpu.memory_space<semaphore_mem>>) src(%arg5 : memref<206x128xf32, #tpu.memory_space<vmem>>) dst(%dma_wait3A_1029 : memref<206x128xf32, #tpu.memory_space<hbm>>)
    %dma_wait3A_1030 = arith.constant 0 : i32
    %dma_wait3A_1031 = arith.constant 0 : i32
    %dma_wait3A_1032 = tpu.memref_slice %arg3[%add3A_771, %dma_wait3A_1030, %dma_wait3A_1031] : memref<1024x206x128xf32, #tpu.memory_space<hbm>> -> memref<1x206x128xf32, #tpu.memory_space<hbm>>
    %dma_wait3A_1033 = tpu.memref_squeeze %dma_wait3A_1032 : memref<1x206x128xf32, #tpu.memory_space<hbm>> -> memref<206x128xf32, #tpu.memory_space<hbm>>
    %dma_wait3A_1034 = arith.constant 0 : i32
    %dma_wait3A_1035 = arith.constant 0 : i32
    %dma_wait3A_1036 = tpu.memref_slice %arg3[%add3A_771, %dma_wait3A_1034, %dma_wait3A_1035] : memref<1024x206x128xf32, #tpu.memory_space<hbm>> -> memref<1x206x128xf32, #tpu.memory_space<hbm>>
    %dma_wait3A_1037 = tpu.memref_squeeze %dma_wait3A_1036 : memref<1x206x128xf32, #tpu.memory_space<hbm>> -> memref<206x128xf32, #tpu.memory_space<hbm>>
    tpu.wait_dma2 semaphore(%arg6 : memref<!tpu.dma_semaphore, #tpu.memory_space<semaphore_mem>>) src(%arg5 : memref<206x128xf32, #tpu.memory_space<vmem>>) dst(%dma_wait3A_1037 : memref<206x128xf32, #tpu.memory_space<hbm>>)
    %dma_wait3A_1038 = arith.constant 0 : i32
    %dma_wait3A_1039 = arith.constant 0 : i32
    %dma_wait3A_1040 = tpu.memref_slice %arg3[%add3A_781, %dma_wait3A_1038, %dma_wait3A_1039] : memref<1024x206x128xf32, #tpu.memory_space<hbm>> -> memref<1x206x128xf32, #tpu.memory_space<hbm>>
    %dma_wait3A_1041 = tpu.memref_squeeze %dma_wait3A_1040 : memref<1x206x128xf32, #tpu.memory_space<hbm>> -> memref<206x128xf32, #tpu.memory_space<hbm>>
    %dma_wait3A_1042 = arith.constant 0 : i32
    %dma_wait3A_1043 = arith.constant 0 : i32
    %dma_wait3A_1044 = tpu.memref_slice %arg3[%add3A_781, %dma_wait3A_1042, %dma_wait3A_1043] : memref<1024x206x128xf32, #tpu.memory_space<hbm>> -> memref<1x206x128xf32, #tpu.memory_space<hbm>>
    %dma_wait3A_1045 = tpu.memref_squeeze %dma_wait3A_1044 : memref<1x206x128xf32, #tpu.memory_space<hbm>> -> memref<206x128xf32, #tpu.memory_space<hbm>>
    tpu.wait_dma2 semaphore(%arg6 : memref<!tpu.dma_semaphore, #tpu.memory_space<semaphore_mem>>) src(%arg5 : memref<206x128xf32, #tpu.memory_space<vmem>>) dst(%dma_wait3A_1045 : memref<206x128xf32, #tpu.memory_space<hbm>>)
    return
  }
}

</mosaic_0001>

<sc_bundles>
// kernel: kernel.3.cloned.1.call-start
scs
__scs_entry_jumppad:
0x0: {  	(pc) =	sbr.rel $0x88, $3  }
0x1: {  	(tag) =	ssettag $0x0;
	lr =	simm.s32 $0x1  }
0x2: {  	[smem:$0x3FA0] =	sst lr;
	_ =	strace $0xD0000000  }
0x3: {  	_ = 	snop  }
0x4: {  	_ = 	snop  }
0x5: {  	_ = 	snop  }
0x6: {  	_ = 	snop  }
0x7: {  	_ = 	snop  }
__scs_overlays_trampoline_lowered:
0x8: {  	[smem:$0x3FAF] =	sst s0  }
0x9: {  	[smem:$0x3FB0] =	sst s1  }
0xa: {  	[smem:$0x3FB1] =	sst s2  }
0xb: {  	[smem:$0x3FB2] =	sst s3  }
0xc: {  	[smem:$0x3FB3] =	sst s4  }
0xd: {  	[smem:$0x3FB4] =	sst s5  }
0xe: {  	[smem:$0x3FB5] =	sst s6  }
0xf: {  	[smem:$0x3FB6] =	sst s7  }
0x10: {  	[smem:$0x3FB7] =	sst s8  }
0x11: {  	[smem:$0x3FB8] =	sst s9;
	s0 =	simm.s32 @!p0 $0x0  }
0x12: {  	s1 =	sld [smem:$0x3F9E];
	s0 =	simm.s32 @p0 $0x1  }
0x13: {  	[smem:$0x3FB9] =	sst s0;
	s0 =	simm.s32 @!p1 $0x0  }
0x14: {  	s2 =	sld [smem:$0x3F9D];
	s0 =	simm.s32 @p1 $0x1  }
0x15: {  	[smem:$0x3FBA] =	sst s0;
	s0 =	simm.s32 @!p2 $0x0  }
0x16: {  	s3 =	sld [smem:$0x3FDB];
	s0 =	simm.s32 @p2 $0x1  }
0x17: {  	s4 =	simm.s32 $0x1BF5;
	[smem:$0x3FBC] =	sst s0  }
0x18: {  	s0 =	sld [smem:$0x3F9F];
	_ =	swait.ge [sflag:s4], $0x0  }
0x19: {  	s7 =	sld [smem:$0x3FA0]  }
0x1a: {  	s8 =	sadd.s32 $0xFFFFE003, lr  }
0x1b: {  	s9 =	sadd.s32 $0xFFFFFEF7, lr;
	s5 =	simm.s32 $0xFFFFFFFF;
	p2 =	slt.u32 s8, $0xFFFFF086  }
0x1c: {  	p1 =	slt.u32 s9, $0xF7A;
	s5 =	simm.s32 @!p2 $0x0  }
0x1d: {  	s5 =	simm.s32 @p1 $0x1;
	p0 =	seq.s32 s7, s2  }
0x1e: {  	s7 =	smul.u32 @!p0 $0xF7A, s2;
	p2 =	seq.s32 @!p0 s5, $0x0  }
0x1f: {  	s9 =	smul.u32 $0xF7A, s1;
	s8 =	simm.s32 @!p0 $0x1BF5;
	p2 =	por !p2, p0  }
0x20: {  	[sflag:s8] =	ssyncset.s32 @!p0 $0xFFFFF086;
	s6 =	sadd.s32 @!p0 s3, s7;
	s7 =	simm.s32 @!p0 $0x108  }
0x21: {  	s3 =	sadd.s32 s3, s9;
	s6 =	sadd.s32 @!p0 $0x88, s6;
	s7 =	simm.s32 @p2 $0x1082  }
0x22: {  	[simem:s7], [sflag:s8] =	dma.local @!p0 [hbm:s6], $0xF7A  }
0x23: {  	s9 =	sor.u32 $0xD0000000, s2;
	s6 =	simm.s32 $0x108;
	_ =	swait.ge @!p0 [sflag:s8], $0x0  }
0x24: {  	s3 =	sadd.s32 $0x88, s3;
	s6 =	simm.s32 @!p1 $0x1082;
	[sflag:s4] =	ssyncset.s32 $0xFFFFF086  }
0x25: {  	[simem:s6], [sflag:s4] =	dma.local [hbm:s3], $0xF7A  }
0x26: {  	[smem:$0x3FA0] =	sst s1;
	(tag) =	ssettag s2;
	_ =	strace s9  }
0x27: {  	s1 =	sld [smem:$0x3FB0]  }
0x28: {  	s2 =	sld [smem:$0x3FB1]  }
0x29: {  	s4 =	sld [smem:$0x3FB3]  }
0x2a: {  	p0 =	seq.s32 s5, $0x0;
	s5 =	sld [smem:$0x3FB4]  }
0x2b: {  	s6 =	sld [smem:$0x3FB5]  }
0x2c: {  	s7 =	sld [smem:$0x3FB6]  }
0x2d: {  	s3 =	simm.s32 $0x108;
	s8 =	sld [smem:$0x3FB7]  }
0x2e: {  	s3 =	simm.s32 @!p0 $0x1082;
	s9 =	sld [smem:$0x3FB8]  }
0x2f: {  	lr =	sadd.s32 s0, s3;
	s0 =	sld [smem:$0x3FAF]  }
0x30: {  	s3 =	sld [smem:$0x3FB2]  }
0x31: {  	[smem:$0x3FBB] =	sst s10  }
0x32: {  	s10 =	sld [smem:$0x3FB9];
	_ =	sdelay $0x3  }
0x33: {  	p0 =	seq.s32 s10, $0x1;
	s10 =	sld [smem:$0x3FBB];
	_ =	sdelay $0x3  }
0x34: {  	[smem:$0x3FBB] =	sst s10  }
0x35: {  	s10 =	sld [smem:$0x3FBA];
	_ =	sdelay $0x3  }
0x36: {  	p1 =	seq.s32 s10, $0x1;
	s10 =	sld [smem:$0x3FBB];
	_ =	sdelay $0x3  }
0x37: {  	[smem:$0x3FBB] =	sst s10  }
0x38: {  	s10 =	sld [smem:$0x3FBC]  }
0x39: {  	_ = 	snop;
	(pc) =	sbr.ind lr, $3  }
0x3a: {  	_ = 	snop  }
0x3b: {  	_ = 	snop  }
0x3c: {  	p2 =	seq.s32 s10, $0x1;
	s10 =	sld [smem:$0x3FBB]  }
0x3d: {  	_ =	shalt  }
0x3e: {  	_ =	shalt  }
0x3f: {  	_ =	shalt  }
0x40: {  	_ =	shalt  }
0x41: {  	_ =	shalt  }
0x42: {  	_ =	shalt  }
0x43: {  	_ =	shalt  }
0x44: {  	_ =	shalt  }
0x45: {  	_ =	shalt  }
0x46: {  	_ =	shalt  }
0x47: {  	_ =	shalt  }
0x48: {  	_ =	shalt  }
0x49: {  	_ =	shalt  }
0x4a: {  	_ =	shalt  }
0x4b: {  	_ =	shalt  }
0x4c: {  	_ =	shalt  }
0x4d: {  	_ =	shalt  }
0x4e: {  	_ =	shalt  }
0x4f: {  	_ =	shalt  }
0x50: {  	_ =	shalt  }
0x51: {  	_ =	shalt  }
0x52: {  	_ =	shalt  }
0x53: {  	_ =	shalt  }
0x54: {  	_ =	shalt  }
0x55: {  	_ =	shalt  }
0x56: {  	_ =	shalt  }
0x57: {  	_ =	shalt  }
0x58: {  	_ =	shalt  }
0x59: {  	_ =	shalt  }
0x5a: {  	_ =	shalt  }
0x5b: {  	_ =	shalt  }
0x5c: {  	_ =	shalt  }
0x5d: {  	_ =	shalt  }
0x5e: {  	_ =	shalt  }
0x5f: {  	_ =	shalt  }
0x60: {  	_ =	shalt  }
0x61: {  	_ =	shalt  }
0x62: {  	_ =	shalt  }
0x63: {  	_ =	shalt  }
0x64: {  	_ =	shalt  }
0x65: {  	_ =	shalt  }
0x66: {  	_ =	shalt  }
0x67: {  	_ =	shalt  }
0x68: {  	_ =	shalt  }
0x69: {  	_ =	shalt  }
0x6a: {  	_ =	shalt  }
0x6b: {  	_ =	shalt  }
0x6c: {  	_ =	shalt  }
0x6d: {  	_ =	shalt  }
0x6e: {  	_ =	shalt  }
0x6f: {  	_ =	shalt  }
0x70: {  	_ =	shalt  }
0x71: {  	_ =	shalt  }
0x72: {  	_ =	shalt  }
0x73: {  	_ =	shalt  }
0x74: {  	_ =	shalt  }
0x75: {  	_ =	shalt  }
0x76: {  	_ =	shalt  }
0x77: {  	_ =	shalt  }
0x78: {  	_ =	shalt  }
0x79: {  	_ =	shalt  }
0x7a: {  	_ =	shalt  }
0x7b: {  	_ =	shalt  }
0x7c: {  	_ =	shalt  }
0x7d: {  	_ =	shalt  }
0x7e: {  	_ =	shalt  }
0x7f: {  	_ =	shalt  }
0x80: {  	_ =	shalt  }
0x81: {  	_ =	shalt  }
0x82: {  	_ =	shalt  }
0x83: {  	_ =	shalt  }
0x84: {  	_ =	shalt  }
0x85: {  	_ =	shalt  }
0x86: {  	_ =	shalt  }
0x87: {  	_ =	shalt  }
.Lfunc_end0:
.L_simem_size_0:
called_computation_lowered:
.L_overlay_start_0:
0x88: {  	s2 =	sld [smem:$0x3FD9]  }
0x89: {  	s3 =	sld [smem:$0x3FFE];
	_ =	sdelay $0x1  }
0x8a: {  	s1 =	srdreg.scid  }
0x8b: {  	s0 =	sand.u32 $0x1, s1  }
0x8c: {  	s17 =	sshll.u32 s0, $0xA;
	s2 =	sadd.s32 s3, s2  }
0x8d: {  	s2 =	sadd.s32 s2, s17  }
0x8e: {  	[smem:$0x3FC7] =	sst s2  }
0x8f: {  	_ = 	snop  }
0x90: {  	s2 =	sld [smem:$0x3FC9];
	(tm) =	ssettm $0x1  }
0x91: {  	s18 =	sld [smem:$0x3FFB];
	_ =	sdelay $0x3  }
0x92: {  	_ =	strace s18  }
0x93: {  	s3 =	sld [smem:$0x3FFC];
	_ =	sdelay $0x3  }
0x94: {  	_ =	strace s3  }
0x95: {  	s3 =	sld [smem:$0x3FFD];
	_ =	sdelay $0x3  }
0x96: {  	_ =	strace s3  }
0x97: {  	_ =	strace $0x8FFFFFFF  }
0x98: {  	s19 =	sld [smem:$0x3FDB];
	_ =	sdelay $0x1  }
0x99: {  	s4 =	simm.s32 $_scs_section_size  }
0x9a: {  	s5 =	simm.s32 $_size__tile_overlayer_lowered;
	s6 =	simm.s32 $_tile_overlayer_lowered  }
0x9b: {  	s22 =	simm.s32 $0x1BFF;
	s21 =	sshll.u32 s6, $0x1;
	s3 =	sadd.s32 s4, s19  }
0x9c: {  	s7 =	simm.s32 $0x0;
	s20 =	sshll.u32 s5, $0x1;
	s5 =	sadd.s32 s21, s3  }
0x9d: {  	[timem:s7], [sflag:s22] =	dma.local [hbm:s5], s20  }
0x9e: {  	_ =	swait.ge [sflag:s22], s20  }
0x9f: {  	s4 =	ssub.s32 $0x0, s20;
	[sflag:s22] =	ssyncset.done $0x0  }
0xa0: {  	[sflag:s22] =	ssyncadd.s32 s4;
	_ =	sdelay $0x1  }
0xa1: {  	s23 =	simm.s32 $0x1B8B  }
0xa2: {  	_ =	swait.ge [sflag:s23], $0x1  }
0xa3: {  	[sflag:s23] =	ssyncset.done $0x0  }
0xa4: {  	s25 =	simm.s32 $0x1B8E;
	s24 =	sld [smem:$0x3FFE];
	[sflag:s23] =	ssyncadd.s32 $0xFFFFFFFF  }
0xa5: {  	s26 =	simm.s32 $execute0_lowered;
	[smem:$0x3FD2] =	sst s25  }
0xa6: {  	s5 =	sshll.u32 s26, $0x1;
	_ =	strace $0x80000046;
	[dreg:$0x1] =	wrdreg $0xFFFFFFFF  }
0xa7: {  	s28 =	simm.s32 $_size_execute0_lowered;
	s3 =	sadd.s32 s3, s5;
	[dreg:$0x0] =	wrdreg $0x0  }
0xa8: {  	s5 =	sshll.u32 s28, $0x1;
	[dreg:$0x2] =	wrdreg s3  }
0xa9: {  	[dreg:$0x3] =	wrdreg s5  }
0xaa: {  	[dreg:$0x4] =	wrdreg $0xC0  }
0xab: {  	_ =	task [dreg:s7], $0x5FFFF  }
0xac: {  	[dreg:$0x1] =	wrdreg $0xFFFFFFFF  }
0xad: {  	[dreg:$0x0] =	wrdreg $0x60  }
0xae: {  	[dreg:$0x2] =	wrdreg s2  }
0xaf: {  	[dreg:$0x3] =	wrdreg s24  }
0xb0: {  	[dreg:$0x4] =	wrdreg $0x9  }
0xb1: {  	_ =	task.clear_ibuf [dreg:s7], $0x5FFFF;
	_ =	strace $0x90000046  }
0xb2: {  	s29 =	simm.s32 $0x9;
	_ =	strace $0x80000048  }
0xb3: {  	_ =	swait.ge [sflag:s29], $0x1  }
0xb4: {  	[sflag:s29] =	ssyncadd.s32 $0xFFFFFFFF  }
0xb5: {  	_ =	strace $0x90000048  }
0xb6: {  	_ =	sfence  }
0xb7: {  	s30 =	sld [smem:$0x0];
	_ =	sdelay $0x2  }
0xb8: {  	s31 =	sshll.u32 s1, $0xD;
	s1 =	sshrl.u32 s1, $0x2  }
0xb9: {  	s3 =	sand.u32 $0x4000, s31;
	s1 =	sadd.s32 s1, s30  }
0xba: {  	s0 =	sor.u32 s3, s0;
	s1 =	sshll.u32 s1, $0x11  }
0xbb: {  	s0 =	sor.u32 s1, s0  }
0xbc: {  	s0 =	sadd.s32 $0x8F2B, s0  }
0xbd: {  	[sflag:s0] =	ssyncadd.remote.s32 $0x1  }
0xbe: {  	_ =	sfence.sel $0xFFFF  }
0xbf: {  	[dreg:$0x0] =	wrdreg $0xFFFFFFFF;
	(pc) =	sbr.abs _section_cstart, $3  }
0xc0: {  	[dreg:$0x1] =	wrdreg $0xFFFFFFFF  }
0xc1: {  	_ =	task.clear_ibuf [dreg:s7], $0x2FFFF;
	_ =	strace $0x9FFFFFFF  }
0xc2: {  	(tm) =	ssettm $0x7FFFFFFF  }
0xc3: {  	_ =	shalt  }
tec
execute0_lowered:
.L_overlay_start_1:
0x0: {  	(tag) =	ssettag $0x1  }
0x1: {  	s0 =	srdreg.scid  }
0x2: {  	s2 =	rddreg [dreg:$0x0];
	s1 =	stileid.u32;
	s0 =	sand.u32 $0x1, s0  }
0x3: {  	s3 =	simm.s32 $0x0;
	s5 =	sshll.u32 s1, $0x6;
	s6 =	sshll.u32 s0, $0x5  }
0x4: {  	v0 =	vimm.s32 $0x2;
	[smem:$0x7FF] =	sst s3;
	s5 =	sor.u32 s6, s5  }
0x5: {  	s4 =	rddreg [dreg:$0x1];
	_ =	strace $0x80000047;
	[tilespmem:$0x20] =	vst v0;
	s6 =	smul.u32 $0xD00, s5  }
0x6: {  	v2 =	vimm.s32 $0x4;
	s7 =	sadd.s32 $0x400, s4;
	[tilespmem:$0x30] =	vst v0;
	s5 =	smul.u32 $0x6800, s5  }
0x7: {  	vm14 =	vcmask $0x300;
	[tilespmem:$0x50] =	vst v2;
	s4 =	sadd.s32 s7, s6  }
0x8: {  	v3 =	vsel vm14, $0x0, v0;
	[tilespmem:$0x60] =	vst v2;
	s5 =	sshrl.u32 s5, $0x3;
	s6 =	sadd.s32 $0xD00, s4  }
0x9: {  	v4 =	vimm.s32 $0x5;
	[tilespmem:$0x0] =	vst v3;
	s10 =	sadd.s32 $0x1A00, s4;
	s31 =	sadd.s32 s7, s5;
	[dreg:$0x3] =	wrdreg s6  }
0xa: {  	vm15 =	vcmask $0x1700;
	[tilespmem:$0xC0] =	vst v4;
	[dreg:$0x4] =	wrdreg s10;
	s5 =	sadd.s32 $0x2700, s31  }
0xb: {  	v5 =	vsel vm15, $0x4, v4;
	[tilespmem:$0xB0] =	vst v4;
	s11 =	sadd.s32 $0x3400, s31;
	[dreg:$0x5] =	wrdreg s5  }
0xc: {  	[tilespmem:$0xA0] =	vst v5;
	s12 =	sadd.s32 $0x4100, s31;
	[dreg:$0x6] =	wrdreg s11  }
0xd: {  	v1 =	vimm.s32 $0x4040302;
	[tilespmem:$0x90] =	vst v2;
	s13 =	sadd.s32 $0x4E00, s31;
	[dreg:$0x7] =	wrdreg s12  }
0xe: {  	v1 =	vunpack.c.0.s8.s32 v1;
	[tilespmem:$0x80] =	vst v2;
	s14 =	sadd.s32 $0x5B00, s31;
	[dreg:$0x8] =	wrdreg s13  }
0xf: {  	vm0 =	vcmask $0xF00;
	s18 =	simm.s32 $0x4E;
	[tilespmem:$0x70] =	vst v2;
	s15 =	sadd.s32 $0x6800, s31;
	[dreg:$0x9] =	wrdreg s14  }
0x10: {  	[tilespmem:$0x10] =	vst v0;
	v1 =	vnsel vm0, $0x4, v1;
	s16 =	sadd.s32 $0x7500, s31;
	s17 =	sadd.s32 $0x8200, s31;
	[dreg:$0xa] =	wrdreg s15  }
0x11: {  	[tilespmem:$0x40] =	vst v1;
	s6 =	simm.s32 $0x100;
	[dreg:$0xb] =	wrdreg s16;
	s5 =	simm.s32 $0x80  }
0x12: {  	[tilespmem:s6], [sflag:$0x1] =	stream.indirect.gather [hbm4b:s2+s5], $0x80, s3, s5, $0xb8;
	[tilespmem:$0x6900] =	vst v63  }
0x13: {  	s19 =	simm.s32 $0x4100;
	s8 =	simm.s32 $0x1;
	[dreg:$0xc] =	wrdreg s17  }
0x14: {  	[tilespmem:s19], [sflag:$0x1] =	stream.indirect.gather [hbm4b:s2+s18], $0x80, s5, s18, $0xb8;
	[tilespmem:$0x6900] =	vst v63  }
0x15: {  	_ =	swait.ge [sflag:s8], $0x4000  }
0x16: {  	[sflag:s8] =	ssyncset.done $0x0  }
0x17: {  	[sflag:s8] =	ssyncadd.s32 $0xFFFFC000  }
0x18: {  	_ =	swait.ge [sflag:s8], $0x2700  }
0x19: {  	[sflag:s8] =	ssyncset.done $0x0  }
0x1a: {  	[sflag:s8] =	ssyncadd.s32 $0xFFFFD900  }
0x1b: {  	[hbm4b:s4+s3] =	stream.linear.scatter [tilespmem:s6], [sflag:$0x1], $0x6700, $0x38;
	[tilespmem:$0x6900] =	vst v63  }
0x1c: {  	s10 =	rddreg [dreg:$0x3]  }
0x1d: {  	[hbm4b:s10+s3] =	stream.linear.scatter [tilespmem:s6], [sflag:$0x1], $0x6700, $0x38;
	[tilespmem:$0x6900] =	vst v63  }
0x1e: {  	s11 =	rddreg [dreg:$0x4]  }
0x1f: {  	[hbm4b:s11+s3] =	stream.linear.scatter [tilespmem:s6], [sflag:$0x1], $0x6700, $0x38;
	[tilespmem:$0x6900] =	vst v63  }
0x20: {  	s20 =	rddreg [dreg:$0x5]  }
0x21: {  	[hbm4b:s20+s3] =	stream.linear.scatter [tilespmem:s6], [sflag:$0x1], $0x6700, $0x38;
	[tilespmem:$0x6900] =	vst v63  }
0x22: {  	s21 =	rddreg [dreg:$0x6]  }
0x23: {  	[hbm4b:s21+s3] =	stream.linear.scatter [tilespmem:s6], [sflag:$0x1], $0x6700, $0x38;
	[tilespmem:$0x6900] =	vst v63  }
0x24: {  	s22 =	rddreg [dreg:$0x7]  }
0x25: {  	[hbm4b:s22+s3] =	stream.linear.scatter [tilespmem:s6], [sflag:$0x1], $0x6700, $0x38;
	[tilespmem:$0x6900] =	vst v63  }
0x26: {  	s23 =	rddreg [dreg:$0x8]  }
0x27: {  	[hbm4b:s23+s3] =	stream.linear.scatter [tilespmem:s6], [sflag:$0x1], $0x6700, $0x38;
	[tilespmem:$0x6900] =	vst v63  }
0x28: {  	s24 =	rddreg [dreg:$0x9]  }
0x29: {  	[hbm4b:s24+s3] =	stream.linear.scatter [tilespmem:s6], [sflag:$0x1], $0x6700, $0x38;
	[tilespmem:$0x6900] =	vst v63  }
0x2a: {  	s25 =	rddreg [dreg:$0xa]  }
0x2b: {  	[hbm4b:s25+s3] =	stream.linear.scatter [tilespmem:s6], [sflag:$0x1], $0x6700, $0x38;
	[tilespmem:$0x6900] =	vst v63  }
0x2c: {  	s26 =	rddreg [dreg:$0xb]  }
0x2d: {  	[hbm4b:s26+s3] =	stream.linear.scatter [tilespmem:s6], [sflag:$0x1], $0x6700, $0x38;
	[tilespmem:$0x6900] =	vst v63  }
0x2e: {  	s1 =	rddreg [dreg:$0xc]  }
0x2f: {  	[hbm4b:s1+s3] =	stream.linear.scatter [tilespmem:s6], [sflag:$0x1], $0x6700, $0x38;
	[tilespmem:$0x6900] =	vst v63  }
0x30: {  	s10 =	sadd.s32 $0x8F00, s31  }
0x31: {  	[hbm4b:s10+s3] =	stream.linear.scatter [tilespmem:s6], [sflag:$0x1], $0x6700, $0x38;
	[tilespmem:$0x6900] =	vst v63  }
0x32: {  	s11 =	sadd.s32 $0x9C00, s31  }
0x33: {  	[hbm4b:s11+s3] =	stream.linear.scatter [tilespmem:s6], [sflag:$0x1], $0x6700, $0x38;
	[tilespmem:$0x6900] =	vst v63  }
0x34: {  	s12 =	sadd.s32 $0xA900, s31  }
0x35: {  	[hbm4b:s12+s3] =	stream.linear.scatter [tilespmem:s6], [sflag:$0x1], $0x6700, $0x38;
	[tilespmem:$0x6900] =	vst v63  }
0x36: {  	s13 =	sadd.s32 $0xB600, s31  }
0x37: {  	[hbm4b:s13+s3] =	stream.linear.scatter [tilespmem:s6], [sflag:$0x1], $0x6700, $0x38;
	[tilespmem:$0x6900] =	vst v63  }
0x38: {  	s14 =	sadd.s32 $0xC300, s31  }
0x39: {  	[hbm4b:s14+s3] =	stream.linear.scatter [tilespmem:s6], [sflag:$0x1], $0x6700, $0x38;
	[tilespmem:$0x6900] =	vst v63  }
0x3a: {  	s15 =	sadd.s32 $0xD000, s31  }
0x3b: {  	[hbm4b:s15+s3] =	stream.linear.scatter [tilespmem:s6], [sflag:$0x1], $0x6700, $0x38;
	[tilespmem:$0x6900] =	vst v63  }
0x3c: {  	s16 =	sadd.s32 $0xDD00, s31  }
0x3d: {  	[hbm4b:s16+s3] =	stream.linear.scatter [tilespmem:s6], [sflag:$0x1], $0x6700, $0x38;
	[tilespmem:$0x6900] =	vst v63  }
0x3e: {  	s17 =	sadd.s32 $0xEA00, s31  }
0x3f: {  	[hbm4b:s17+s3] =	stream.linear.scatter [tilespmem:s6], [sflag:$0x1], $0x6700, $0x38;
	[tilespmem:$0x6900] =	vst v63  }
0x40: {  	s18 =	sadd.s32 $0xF700, s31  }
0x41: {  	[hbm4b:s18+s3] =	stream.linear.scatter [tilespmem:s6], [sflag:$0x1], $0x6700, $0x38;
	[tilespmem:$0x6900] =	vst v63  }
0x42: {  	s19 =	sadd.s32 $0x10400, s31  }
0x43: {  	[hbm4b:s19+s3] =	stream.linear.scatter [tilespmem:s6], [sflag:$0x1], $0x6700, $0x38;
	[tilespmem:$0x6900] =	vst v63  }
0x44: {  	s20 =	sadd.s32 $0x11100, s31  }
0x45: {  	[hbm4b:s20+s3] =	stream.linear.scatter [tilespmem:s6], [sflag:$0x1], $0x6700, $0x38;
	[tilespmem:$0x6900] =	vst v63  }
0x46: {  	s21 =	sadd.s32 $0x11E00, s31  }
0x47: {  	[hbm4b:s21+s3] =	stream.linear.scatter [tilespmem:s6], [sflag:$0x1], $0x6700, $0x38;
	[tilespmem:$0x6900] =	vst v63  }
0x48: {  	s22 =	sadd.s32 $0x12B00, s31  }
0x49: {  	[hbm4b:s22+s3] =	stream.linear.scatter [tilespmem:s6], [sflag:$0x1], $0x6700, $0x38;
	[tilespmem:$0x6900] =	vst v63  }
0x4a: {  	s23 =	sadd.s32 $0x13800, s31  }
0x4b: {  	[hbm4b:s23+s3] =	stream.linear.scatter [tilespmem:s6], [sflag:$0x1], $0x6700, $0x38;
	[tilespmem:$0x6900] =	vst v63  }
0x4c: {  	s24 =	sadd.s32 $0x14500, s31  }
0x4d: {  	[hbm4b:s24+s3] =	stream.linear.scatter [tilespmem:s6], [sflag:$0x1], $0x6700, $0x38;
	[tilespmem:$0x6900] =	vst v63  }
0x4e: {  	s25 =	sadd.s32 $0x15200, s31  }
0x4f: {  	[hbm4b:s25+s3] =	stream.linear.scatter [tilespmem:s6], [sflag:$0x1], $0x6700, $0x38;
	[tilespmem:$0x6900] =	vst v63  }
0x50: {  	s26 =	sadd.s32 $0x15F00, s31  }
0x51: {  	[hbm4b:s26+s3] =	stream.linear.scatter [tilespmem:s6], [sflag:$0x1], $0x6700, $0x38;
	[tilespmem:$0x6900] =	vst v63  }
0x52: {  	s28 =	sadd.s32 $0x16C00, s31  }
0x53: {  	[hbm4b:s28+s3] =	stream.linear.scatter [tilespmem:s6], [sflag:$0x1], $0x6700, $0x38;
	[tilespmem:$0x6900] =	vst v63  }
0x54: {  	s29 =	sadd.s32 $0x17900, s31  }
0x55: {  	[hbm4b:s29+s3] =	stream.linear.scatter [tilespmem:s6], [sflag:$0x1], $0x6700, $0x38;
	[tilespmem:$0x6900] =	vst v63  }
0x56: {  	s30 =	sadd.s32 $0x18600, s31  }
0x57: {  	[hbm4b:s30+s3] =	stream.linear.scatter [tilespmem:s6], [sflag:$0x1], $0x6700, $0x38;
	[tilespmem:$0x6900] =	vst v63  }
0x58: {  	s31 =	sadd.s32 $0x19300, s31  }
0x59: {  	[hbm4b:s31+s3] =	stream.linear.scatter [tilespmem:s6], [sflag:$0x1], $0x6700, $0x38;
	[tilespmem:$0x6900] =	vst v63  }
0x5a: {  	_ =	swait.ge [sflag:s8], $0x6700  }
0x5b: {  	[sflag:s8] =	ssyncset.done $0x0  }
0x5c: {  	[sflag:s8] =	ssyncadd.s32 $0xFFFF9900  }
0x5d: {  	_ =	swait.ge [sflag:s8], $0x6700  }
0x5e: {  	[sflag:s8] =	ssyncset.done $0x0  }
0x5f: {  	[sflag:s8] =	ssyncadd.s32 $0xFFFF9900  }
0x60: {  	_ =	swait.ge [sflag:s8], $0x6700  }
0x61: {  	[sflag:s8] =	ssyncset.done $0x0  }
0x62: {  	[sflag:s8] =	ssyncadd.s32 $0xFFFF9900  }
0x63: {  	_ =	swait.ge [sflag:s8], $0x6700  }
0x64: {  	[sflag:s8] =	ssyncset.done $0x0  }
0x65: {  	[sflag:s8] =	ssyncadd.s32 $0xFFFF9900  }
0x66: {  	_ =	swait.ge [sflag:s8], $0x6700  }
0x67: {  	[sflag:s8] =	ssyncset.done $0x0  }
0x68: {  	[sflag:s8] =	ssyncadd.s32 $0xFFFF9900  }
0x69: {  	_ =	swait.ge [sflag:s8], $0x6700  }
0x6a: {  	[sflag:s8] =	ssyncset.done $0x0  }
0x6b: {  	[sflag:s8] =	ssyncadd.s32 $0xFFFF9900  }
0x6c: {  	_ =	swait.ge [sflag:s8], $0x6700  }
0x6d: {  	[sflag:s8] =	ssyncset.done $0x0  }
0x6e: {  	[sflag:s8] =	ssyncadd.s32 $0xFFFF9900  }
0x6f: {  	_ =	swait.ge [sflag:s8], $0x6700  }
0x70: {  	[sflag:s8] =	ssyncset.done $0x0  }
0x71: {  	[sflag:s8] =	ssyncadd.s32 $0xFFFF9900  }
0x72: {  	_ =	swait.ge [sflag:s8], $0x6700  }
0x73: {  	[sflag:s8] =	ssyncset.done $0x0  }
0x74: {  	[sflag:s8] =	ssyncadd.s32 $0xFFFF9900  }
0x75: {  	_ =	swait.ge [sflag:s8], $0x6700  }
0x76: {  	[sflag:s8] =	ssyncset.done $0x0  }
0x77: {  	[sflag:s8] =	ssyncadd.s32 $0xFFFF9900  }
0x78: {  	_ =	swait.ge [sflag:s8], $0x6700  }
0x79: {  	[sflag:s8] =	ssyncset.done $0x0  }
0x7a: {  	[sflag:s8] =	ssyncadd.s32 $0xFFFF9900  }
0x7b: {  	_ =	swait.ge [sflag:s8], $0x6700  }
0x7c: {  	[sflag:s8] =	ssyncset.done $0x0  }
0x7d: {  	[sflag:s8] =	ssyncadd.s32 $0xFFFF9900  }
0x7e: {  	_ =	swait.ge [sflag:s8], $0x6700  }
0x7f: {  	[sflag:s8] =	ssyncset.done $0x0  }
0x80: {  	[sflag:s8] =	ssyncadd.s32 $0xFFFF9900  }
0x81: {  	_ =	swait.ge [sflag:s8], $0x6700  }
0x82: {  	[sflag:s8] =	ssyncset.done $0x0  }
0x83: {  	[sflag:s8] =	ssyncadd.s32 $0xFFFF9900  }
0x84: {  	_ =	swait.ge [sflag:s8], $0x6700  }
0x85: {  	[sflag:s8] =	ssyncset.done $0x0  }
0x86: {  	[sflag:s8] =	ssyncadd.s32 $0xFFFF9900  }
0x87: {  	_ =	swait.ge [sflag:s8], $0x6700  }
0x88: {  	[sflag:s8] =	ssyncset.done $0x0  }
0x89: {  	[sflag:s8] =	ssyncadd.s32 $0xFFFF9900  }
0x8a: {  	_ =	swait.ge [sflag:s8], $0x6700  }
0x8b: {  	[sflag:s8] =	ssyncset.done $0x0  }
0x8c: {  	[sflag:s8] =	ssyncadd.s32 $0xFFFF9900  }
0x8d: {  	_ =	swait.ge [sflag:s8], $0x6700  }
0x8e: {  	[sflag:s8] =	ssyncset.done $0x0  }
0x8f: {  	[sflag:s8] =	ssyncadd.s32 $0xFFFF9900  }
0x90: {  	_ =	swait.ge [sflag:s8], $0x6700  }
0x91: {  	[sflag:s8] =	ssyncset.done $0x0  }
0x92: {  	[sflag:s8] =	ssyncadd.s32 $0xFFFF9900  }
0x93: {  	_ =	swait.ge [sflag:s8], $0x6700  }
0x94: {  	[sflag:s8] =	ssyncset.done $0x0  }
0x95: {  	[sflag:s8] =	ssyncadd.s32 $0xFFFF9900  }
0x96: {  	_ =	swait.ge [sflag:s8], $0x6700  }
0x97: {  	[sflag:s8] =	ssyncset.done $0x0  }
0x98: {  	[sflag:s8] =	ssyncadd.s32 $0xFFFF9900  }
0x99: {  	_ =	swait.ge [sflag:s8], $0x6700  }
0x9a: {  	[sflag:s8] =	ssyncset.done $0x0  }
0x9b: {  	[sflag:s8] =	ssyncadd.s32 $0xFFFF9900  }
0x9c: {  	_ =	swait.ge [sflag:s8], $0x6700  }
0x9d: {  	[sflag:s8] =	ssyncset.done $0x0  }
0x9e: {  	[sflag:s8] =	ssyncadd.s32 $0xFFFF9900  }
0x9f: {  	_ =	swait.ge [sflag:s8], $0x6700  }
0xa0: {  	[sflag:s8] =	ssyncset.done $0x0  }
0xa1: {  	[sflag:s8] =	ssyncadd.s32 $0xFFFF9900  }
0xa2: {  	_ =	swait.ge [sflag:s8], $0x6700  }
0xa3: {  	[sflag:s8] =	ssyncset.done $0x0  }
0xa4: {  	[sflag:s8] =	ssyncadd.s32 $0xFFFF9900  }
0xa5: {  	_ =	swait.ge [sflag:s8], $0x6700  }
0xa6: {  	[sflag:s8] =	ssyncset.done $0x0  }
0xa7: {  	[sflag:s8] =	ssyncadd.s32 $0xFFFF9900  }
0xa8: {  	_ =	swait.ge [sflag:s8], $0x6700  }
0xa9: {  	[sflag:s8] =	ssyncset.done $0x0  }
0xaa: {  	[sflag:s8] =	ssyncadd.s32 $0xFFFF9900  }
0xab: {  	_ =	swait.ge [sflag:s8], $0x6700  }
0xac: {  	[sflag:s8] =	ssyncset.done $0x0  }
0xad: {  	[sflag:s8] =	ssyncadd.s32 $0xFFFF9900  }
0xae: {  	_ =	swait.ge [sflag:s8], $0x6700  }
0xaf: {  	s0 =	ssub.s32 $0x2, s0;
	[sflag:s8] =	ssyncset.done $0x0  }
0xb0: {  	s7 =	sshrl.u32 s0, $0x1;
	[sflag:s8] =	ssyncadd.s32 $0xFFFF9900  }
0xb1: {  	s0 =	ssub.s32 s0, s7;
	_ =	swait.ge [sflag:s8], $0x6700  }
0xb2: {  	s0 =	smax.u32 s0, $0x1;
	[sflag:s8] =	ssyncset.done $0x0  }
0xb3: {  	p0 =	sne.s32 s0, $0x1;
	[sflag:s8] =	ssyncadd.s32 $0xFFFF9900  }
.Ltmp0:
0xb4: {  	_ =	swait.ge [sflag:s8], $0x6700;
	(pc) =	sbr.rel @!p0 .LBB2_2-.Ltmp0, $4  }
0xb5: {  	[sflag:s8] =	ssyncset.done $0x0  }
0xb6: {  	[sflag:s8] =	ssyncadd.s32 $0xFFFF9900  }
0xb7: {  	_ =	swait.ge [sflag:s8], $0x6700  }
0xb8: {  	s9 =	simm.s32 $0x4100;
	s0 =	sadd.s32 $0xFFFFFFFF, s0;
	[sflag:s8] =	ssyncset.done $0x0  }
.LBB2_1:
0xb9: {  	[sflag:s8] =	ssyncadd.s32 $0xFFFF9900  }
0xba: {  	[tilespmem:$0x20] =	vst v0  }
0xbb: {  	[tilespmem:$0x30] =	vst v0  }
0xbc: {  	[tilespmem:$0x40] =	vst v1  }
0xbd: {  	[tilespmem:$0x50] =	vst v2  }
0xbe: {  	[tilespmem:$0x60] =	vst v2  }
0xbf: {  	[tilespmem:$0x0] =	vst v3  }
0xc0: {  	[tilespmem:$0xC0] =	vst v4  }
0xc1: {  	[tilespmem:$0xB0] =	vst v4  }
0xc2: {  	[tilespmem:$0xA0] =	vst v5  }
0xc3: {  	[tilespmem:$0x90] =	vst v2  }
0xc4: {  	[tilespmem:$0x80] =	vst v2  }
0xc5: {  	[tilespmem:$0x70] =	vst v2  }
0xc6: {  	[tilespmem:$0x10] =	vst v0  }
0xc7: {  	[tilespmem:s6], [sflag:$0x1] =	stream.indirect.gather [hbm4b:s2+s5], $0x80, s3, s5, $0xb8;
	[tilespmem:$0x6900] =	vst v63  }
0xc8: {  	s1 =	simm.s32 $0x4E  }
0xc9: {  	[tilespmem:s9], [sflag:$0x1] =	stream.indirect.gather [hbm4b:s2+s1], $0x80, s5, s1, $0xb8;
	[tilespmem:$0x6900] =	vst v63  }
0xca: {  	_ =	swait.ge [sflag:s8], $0x4000  }
0xcb: {  	[sflag:s8] =	ssyncset.done $0x0  }
0xcc: {  	[sflag:s8] =	ssyncadd.s32 $0xFFFFC000  }
0xcd: {  	_ =	swait.ge [sflag:s8], $0x2700  }
0xce: {  	[sflag:s8] =	ssyncset.done $0x0  }
0xcf: {  	[sflag:s8] =	ssyncadd.s32 $0xFFFFD900  }
0xd0: {  	[hbm4b:s4+s3] =	stream.linear.scatter [tilespmem:s6], [sflag:$0x1], $0x6700, $0x38;
	[tilespmem:$0x6900] =	vst v63  }
0xd1: {  	s1 =	rddreg [dreg:$0x3]  }
0xd2: {  	[hbm4b:s1+s3] =	stream.linear.scatter [tilespmem:s6], [sflag:$0x1], $0x6700, $0x38;
	[tilespmem:$0x6900] =	vst v63  }
0xd3: {  	s7 =	rddreg [dreg:$0x4]  }
0xd4: {  	[hbm4b:s7+s3] =	stream.linear.scatter [tilespmem:s6], [sflag:$0x1], $0x6700, $0x38;
	[tilespmem:$0x6900] =	vst v63  }
0xd5: {  	s1 =	rddreg [dreg:$0x5]  }
0xd6: {  	[hbm4b:s1+s3] =	stream.linear.scatter [tilespmem:s6], [sflag:$0x1], $0x6700, $0x38;
	[tilespmem:$0x6900] =	vst v63  }
0xd7: {  	s7 =	rddreg [dreg:$0x6]  }
0xd8: {  	[hbm4b:s7+s3] =	stream.linear.scatter [tilespmem:s6], [sflag:$0x1], $0x6700, $0x38;
	[tilespmem:$0x6900] =	vst v63  }
0xd9: {  	s1 =	rddreg [dreg:$0x7]  }
0xda: {  	[hbm4b:s1+s3] =	stream.linear.scatter [tilespmem:s6], [sflag:$0x1], $0x6700, $0x38;
	[tilespmem:$0x6900] =	vst v63  }
0xdb: {  	s7 =	rddreg [dreg:$0x8]  }
0xdc: {  	[hbm4b:s7+s3] =	stream.linear.scatter [tilespmem:s6], [sflag:$0x1], $0x6700, $0x38;
	[tilespmem:$0x6900] =	vst v63  }
0xdd: {  	s1 =	rddreg [dreg:$0x9]  }
0xde: {  	[hbm4b:s1+s3] =	stream.linear.scatter [tilespmem:s6], [sflag:$0x1], $0x6700, $0x38;
	[tilespmem:$0x6900] =	vst v63  }
0xdf: {  	s7 =	rddreg [dreg:$0xa]  }
0xe0: {  	[hbm4b:s7+s3] =	stream.linear.scatter [tilespmem:s6], [sflag:$0x1], $0x6700, $0x38;
	[tilespmem:$0x6900] =	vst v63  }
0xe1: {  	s1 =	rddreg [dreg:$0xb]  }
0xe2: {  	[hbm4b:s1+s3] =	stream.linear.scatter [tilespmem:s6], [sflag:$0x1], $0x6700, $0x38;
	[tilespmem:$0x6900] =	vst v63  }
0xe3: {  	s7 =	rddreg [dreg:$0xc]  }
0xe4: {  	[hbm4b:s7+s3] =	stream.linear.scatter [tilespmem:s6], [sflag:$0x1], $0x6700, $0x38;
	[tilespmem:$0x6900] =	vst v63  }
0xe5: {  	_ = 	snop  }
0xe6: {  	[hbm4b:s10+s3] =	stream.linear.scatter [tilespmem:s6], [sflag:$0x1], $0x6700, $0x38;
	[tilespmem:$0x6900] =	vst v63  }
0xe7: {  	_ = 	snop  }
0xe8: {  	[hbm4b:s11+s3] =	stream.linear.scatter [tilespmem:s6], [sflag:$0x1], $0x6700, $0x38;
	[tilespmem:$0x6900] =	vst v63  }
0xe9: {  	_ = 	snop  }
0xea: {  	[hbm4b:s12+s3] =	stream.linear.scatter [tilespmem:s6], [sflag:$0x1], $0x6700, $0x38;
	[tilespmem:$0x6900] =	vst v63  }
0xeb: {  	_ = 	snop  }
0xec: {  	[hbm4b:s13+s3] =	stream.linear.scatter [tilespmem:s6], [sflag:$0x1], $0x6700, $0x38;
	[tilespmem:$0x6900] =	vst v63  }
0xed: {  	_ = 	snop  }
0xee: {  	[hbm4b:s14+s3] =	stream.linear.scatter [tilespmem:s6], [sflag:$0x1], $0x6700, $0x38;
	[tilespmem:$0x6900] =	vst v63  }
0xef: {  	_ = 	snop  }
0xf0: {  	[hbm4b:s15+s3] =	stream.linear.scatter [tilespmem:s6], [sflag:$0x1], $0x6700, $0x38;
	[tilespmem:$0x6900] =	vst v63  }
0xf1: {  	_ = 	snop  }
0xf2: {  	[hbm4b:s16+s3] =	stream.linear.scatter [tilespmem:s6], [sflag:$0x1], $0x6700, $0x38;
	[tilespmem:$0x6900] =	vst v63  }
0xf3: {  	_ = 	snop  }
0xf4: {  	[hbm4b:s17+s3] =	stream.linear.scatter [tilespmem:s6], [sflag:$0x1], $0x6700, $0x38;
	[tilespmem:$0x6900] =	vst v63  }
0xf5: {  	_ = 	snop  }
0xf6: {  	[hbm4b:s18+s3] =	stream.linear.scatter [tilespmem:s6], [sflag:$0x1], $0x6700, $0x38;
	[tilespmem:$0x6900] =	vst v63  }
0xf7: {  	_ = 	snop  }
0xf8: {  	[hbm4b:s19+s3] =	stream.linear.scatter [tilespmem:s6], [sflag:$0x1], $0x6700, $0x38;
	[tilespmem:$0x6900] =	vst v63  }
0xf9: {  	_ = 	snop  }
0xfa: {  	[hbm4b:s20+s3] =	stream.linear.scatter [tilespmem:s6], [sflag:$0x1], $0x6700, $0x38;
	[tilespmem:$0x6900] =	vst v63  }
0xfb: {  	_ = 	snop  }
0xfc: {  	[hbm4b:s21+s3] =	stream.linear.scatter [tilespmem:s6], [sflag:$0x1], $0x6700, $0x38;
	[tilespmem:$0x6900] =	vst v63  }
0xfd: {  	_ = 	snop  }
0xfe: {  	[hbm4b:s22+s3] =	stream.linear.scatter [tilespmem:s6], [sflag:$0x1], $0x6700, $0x38;
	[tilespmem:$0x6900] =	vst v63  }
0xff: {  	_ = 	snop  }
0x100: {  	[hbm4b:s23+s3] =	stream.linear.scatter [tilespmem:s6], [sflag:$0x1], $0x6700, $0x38;
	[tilespmem:$0x6900] =	vst v63  }
0x101: {  	_ = 	snop  }
0x102: {  	[hbm4b:s24+s3] =	stream.linear.scatter [tilespmem:s6], [sflag:$0x1], $0x6700, $0x38;
	[tilespmem:$0x6900] =	vst v63  }
0x103: {  	_ = 	snop  }
0x104: {  	[hbm4b:s25+s3] =	stream.linear.scatter [tilespmem:s6], [sflag:$0x1], $0x6700, $0x38;
	[tilespmem:$0x6900] =	vst v63  }
0x105: {  	_ = 	snop  }
0x106: {  	[hbm4b:s26+s3] =	stream.linear.scatter [tilespmem:s6], [sflag:$0x1], $0x6700, $0x38;
	[tilespmem:$0x6900] =	vst v63  }
0x107: {  	_ = 	snop  }
0x108: {  	[hbm4b:s28+s3] =	stream.linear.scatter [tilespmem:s6], [sflag:$0x1], $0x6700, $0x38;
	[tilespmem:$0x6900] =	vst v63  }
0x109: {  	_ = 	snop  }
0x10a: {  	[hbm4b:s29+s3] =	stream.linear.scatter [tilespmem:s6], [sflag:$0x1], $0x6700, $0x38;
	[tilespmem:$0x6900] =	vst v63  }
0x10b: {  	_ = 	snop  }
0x10c: {  	[hbm4b:s30+s3] =	stream.linear.scatter [tilespmem:s6], [sflag:$0x1], $0x6700, $0x38;
	[tilespmem:$0x6900] =	vst v63  }
0x10d: {  	_ = 	snop  }
0x10e: {  	[hbm4b:s31+s3] =	stream.linear.scatter [tilespmem:s6], [sflag:$0x1], $0x6700, $0x38;
	[tilespmem:$0x6900] =	vst v63  }
0x10f: {  	_ =	swait.ge [sflag:s8], $0x6700  }
0x110: {  	[sflag:s8] =	ssyncset.done $0x0  }
0x111: {  	[sflag:s8] =	ssyncadd.s32 $0xFFFF9900  }
0x112: {  	_ =	swait.ge [sflag:s8], $0x6700  }
0x113: {  	[sflag:s8] =	ssyncset.done $0x0  }
0x114: {  	[sflag:s8] =	ssyncadd.s32 $0xFFFF9900  }
0x115: {  	_ =	swait.ge [sflag:s8], $0x6700  }
0x116: {  	[sflag:s8] =	ssyncset.done $0x0  }
0x117: {  	[sflag:s8] =	ssyncadd.s32 $0xFFFF9900  }
0x118: {  	_ =	swait.ge [sflag:s8], $0x6700  }
0x119: {  	[sflag:s8] =	ssyncset.done $0x0  }
0x11a: {  	[sflag:s8] =	ssyncadd.s32 $0xFFFF9900  }
0x11b: {  	_ =	swait.ge [sflag:s8], $0x6700  }
0x11c: {  	[sflag:s8] =	ssyncset.done $0x0  }
0x11d: {  	[sflag:s8] =	ssyncadd.s32 $0xFFFF9900  }
0x11e: {  	_ =	swait.ge [sflag:s8], $0x6700  }
0x11f: {  	[sflag:s8] =	ssyncset.done $0x0  }
0x120: {  	[sflag:s8] =	ssyncadd.s32 $0xFFFF9900  }
0x121: {  	_ =	swait.ge [sflag:s8], $0x6700  }
0x122: {  	[sflag:s8] =	ssyncset.done $0x0  }
0x123: {  	[sflag:s8] =	ssyncadd.s32 $0xFFFF9900  }
0x124: {  	_ =	swait.ge [sflag:s8], $0x6700  }
0x125: {  	[sflag:s8] =	ssyncset.done $0x0  }
0x126: {  	[sflag:s8] =	ssyncadd.s32 $0xFFFF9900  }
0x127: {  	_ =	swait.ge [sflag:s8], $0x6700  }
0x128: {  	[sflag:s8] =	ssyncset.done $0x0  }
0x129: {  	[sflag:s8] =	ssyncadd.s32 $0xFFFF9900  }
0x12a: {  	_ =	swait.ge [sflag:s8], $0x6700  }
0x12b: {  	[sflag:s8] =	ssyncset.done $0x0  }
0x12c: {  	[sflag:s8] =	ssyncadd.s32 $0xFFFF9900  }
0x12d: {  	_ =	swait.ge [sflag:s8], $0x6700  }
0x12e: {  	[sflag:s8] =	ssyncset.done $0x0  }
0x12f: {  	[sflag:s8] =	ssyncadd.s32 $0xFFFF9900  }
0x130: {  	_ =	swait.ge [sflag:s8], $0x6700  }
0x131: {  	[sflag:s8] =	ssyncset.done $0x0  }
0x132: {  	[sflag:s8] =	ssyncadd.s32 $0xFFFF9900  }
0x133: {  	_ =	swait.ge [sflag:s8], $0x6700  }
0x134: {  	[sflag:s8] =	ssyncset.done $0x0  }
0x135: {  	[sflag:s8] =	ssyncadd.s32 $0xFFFF9900  }
0x136: {  	_ =	swait.ge [sflag:s8], $0x6700  }
0x137: {  	[sflag:s8] =	ssyncset.done $0x0  }
0x138: {  	[sflag:s8] =	ssyncadd.s32 $0xFFFF9900  }
0x139: {  	_ =	swait.ge [sflag:s8], $0x6700  }
0x13a: {  	[sflag:s8] =	ssyncset.done $0x0  }
0x13b: {  	[sflag:s8] =	ssyncadd.s32 $0xFFFF9900  }
0x13c: {  	_ =	swait.ge [sflag:s8], $0x6700  }
0x13d: {  	[sflag:s8] =	ssyncset.done $0x0  }
0x13e: {  	[sflag:s8] =	ssyncadd.s32 $0xFFFF9900  }
0x13f: {  	_ =	swait.ge [sflag:s8], $0x6700  }
0x140: {  	[sflag:s8] =	ssyncset.done $0x0  }
0x141: {  	[sflag:s8] =	ssyncadd.s32 $0xFFFF9900  }
0x142: {  	_ =	swait.ge [sflag:s8], $0x6700  }
0x143: {  	[sflag:s8] =	ssyncset.done $0x0  }
0x144: {  	[sflag:s8] =	ssyncadd.s32 $0xFFFF9900  }
0x145: {  	_ =	swait.ge [sflag:s8], $0x6700  }
0x146: {  	[sflag:s8] =	ssyncset.done $0x0  }
0x147: {  	[sflag:s8] =	ssyncadd.s32 $0xFFFF9900  }
0x148: {  	_ =	swait.ge [sflag:s8], $0x6700  }
0x149: {  	[sflag:s8] =	ssyncset.done $0x0  }
0x14a: {  	[sflag:s8] =	ssyncadd.s32 $0xFFFF9900  }
0x14b: {  	_ =	swait.ge [sflag:s8], $0x6700  }
0x14c: {  	[sflag:s8] =	ssyncset.done $0x0  }
0x14d: {  	[sflag:s8] =	ssyncadd.s32 $0xFFFF9900  }
0x14e: {  	_ =	swait.ge [sflag:s8], $0x6700  }
0x14f: {  	[sflag:s8] =	ssyncset.done $0x0  }
0x150: {  	[sflag:s8] =	ssyncadd.s32 $0xFFFF9900  }
0x151: {  	_ =	swait.ge [sflag:s8], $0x6700  }
0x152: {  	[sflag:s8] =	ssyncset.done $0x0  }
0x153: {  	[sflag:s8] =	ssyncadd.s32 $0xFFFF9900  }
0x154: {  	_ =	swait.ge [sflag:s8], $0x6700  }
0x155: {  	[sflag:s8] =	ssyncset.done $0x0  }
0x156: {  	[sflag:s8] =	ssyncadd.s32 $0xFFFF9900  }
0x157: {  	_ =	swait.ge [sflag:s8], $0x6700  }
0x158: {  	[sflag:s8] =	ssyncset.done $0x0  }
0x159: {  	[sflag:s8] =	ssyncadd.s32 $0xFFFF9900  }
0x15a: {  	_ =	swait.ge [sflag:s8], $0x6700  }
0x15b: {  	[sflag:s8] =	ssyncset.done $0x0  }
0x15c: {  	[sflag:s8] =	ssyncadd.s32 $0xFFFF9900  }
0x15d: {  	_ =	swait.ge [sflag:s8], $0x6700  }
0x15e: {  	[sflag:s8] =	ssyncset.done $0x0  }
0x15f: {  	[sflag:s8] =	ssyncadd.s32 $0xFFFF9900  }
0x160: {  	_ =	swait.ge [sflag:s8], $0x6700  }
0x161: {  	[sflag:s8] =	ssyncset.done $0x0  }
0x162: {  	[sflag:s8] =	ssyncadd.s32 $0xFFFF9900  }
0x163: {  	_ =	swait.ge [sflag:s8], $0x6700  }
0x164: {  	[sflag:s8] =	ssyncset.done $0x0  }
0x165: {  	[sflag:s8] =	ssyncadd.s32 $0xFFFF9900  }
0x166: {  	_ =	swait.ge [sflag:s8], $0x6700  }
0x167: {  	[sflag:s8] =	ssyncset.done $0x0  }
0x168: {  	p0 =	sne.s32 s0, $0x1;
	[sflag:s8] =	ssyncadd.s32 $0xFFFF9900  }
.Ltmp1:
0x169: {  	_ =	swait.ge [sflag:s8], $0x6700;
	(pc) =	sbr.rel @p0 .LBB2_1-.Ltmp1, $4  }
0x16a: {  	[sflag:s8] =	ssyncset.done $0x0  }
0x16b: {  	[sflag:s8] =	ssyncadd.s32 $0xFFFF9900  }
0x16c: {  	_ =	swait.ge [sflag:s8], $0x6700  }
0x16d: {  	s0 =	sadd.s32 $0xFFFFFFFF, s0;
	[sflag:s8] =	ssyncset.done $0x0  }
.LBB2_2:
0x16e: {  	[sflag:s8] =	ssyncadd.s32 $0xFFFF9900  }
0x16f: {  	_ =	sfence.sel $0x180000  }
0x170: {  	[bflag:$0x0] =	sbarrier.arrive $0xFFFF  }
0x171: {  	_ =	strace $0x90000047  }
0x172: {  	s0 =	stileid.u32;
	[bflag:$0x2] =	sbarrier.arrive $0xFFFF  }
0x173: {  	p0 =	sne.s32 s0, $0x0;
	s0 =	rddreg [dreg:$0x2]  }
0x174: {  	s0 =	sadd.s32 @!p0 $0x100000, s0  }
0x175: {  	[sflag:s0] =	ssyncadd.tile.s32 @!p0 $0x1;
	_ =	shalt  }
.Lfunc_end2:
_tile_overlayer_lowered:
.L_overlay_start_2:
0x176: {  	(tag) =	ssettag $0x2  }
0x177: {  	s0 =	rddreg [dreg:$0x0];
	s2 =	stileid.u32  }
0x178: {  	s1 =	rddreg [dreg:$0x1];
	p0 =	sne.s32 s2, $0x0  }
0x179: {  	s3 =	rddreg [dreg:$0x2];
	[bflag:$0x3] =	sbarrier.arrive $0xFFFF;
	s2 =	simm.s32 @!p0 $0x1C02  }
0x17a: {  	[timem:s3], [sflag:s2] =	dma.local @!p0 [hbm:s0], s1  }
0x17b: {  	s0 =	simm.s32 @!p0 $0x2  }
0x17c: {  	_ =	swait.ge @!p0 [sflag:s0], s1  }
0x17d: {  	s1 =	ssub.s32 @!p0 $0x0, s1;
	[sflag:s0] =	ssyncset.done @!p0 $0x0  }
0x17e: {  	[sflag:s0] =	ssyncadd.s32 @!p0 s1  }
0x17f: {  	[bflag:$0x3] =	sbarrier.arrive $0xFFFF  }
0x180: {  	_ =	shalt  }

</sc_bundles>
